<compile_context>
chip_gen: v7x
topology: tpu7x:2x2x1
jax: 0.10.2.dev20260603
libtpu: 0.0.44.dev20260713+nightly
codegen_flags: <defaults>
</compile_context>

<pallas_src>
import functools

import jax
import jax.numpy as jnp
from jax import lax
from jax.experimental import pallas as pl
from jax.experimental.pallas import tpu as pltpu
from jax.experimental.pallas import tpu_sc as plsc

N_NODES = 10000
N_EDGES = 320000
D = 128
N_GRAPHS = 128

NC, NS = 2, 16
NW = NC * NS
NP = 10240
STRIPE = NP // NS
CW = 128
CHUNK = 128
N_CHUNKS = N_EDGES // CHUNK
CHUNKS_PER_CORE = N_CHUNKS // NC
PADC = 2560
TPC = PADC // NW
E_PAD = PADC * CHUNK
GRP = 8

BM = 1000


def _linear_body(x_ref, w_ref, b_ref, o_ref):
    o_ref[...] = (
        jnp.dot(x_ref[...], w_ref[...], preferred_element_type=jnp.float32)
        + b_ref[...]
    )


def _linear(x, Wt, b):
    return pl.pallas_call(
        _linear_body,
        grid=(N_NODES // BM,),
        in_specs=[
            pl.BlockSpec((BM, D), lambda i: (i, 0)),
            pl.BlockSpec((D, D), lambda i: (0, 0)),
            pl.BlockSpec((1, D), lambda i: (0, 0)),
        ],
        out_specs=pl.BlockSpec((BM, D), lambda i: (i, 0)),
        out_shape=jax.ShapeDtypeStruct((N_NODES, D), jnp.float32),
    )(x, Wt, b.reshape(1, D))


def _mean_relu(p_ref, cnt_ref):
    blk = p_ref[0] + p_ref[1]
    c = cnt_ref[0, :, 0:1] + cnt_ref[1, :, 0:1]
    return jnp.maximum(blk / jnp.maximum(c, 1.0), 0.0)


def _mrl_body(p_ref, cnt_ref, w_ref, b_ref, o_ref):
    z = _mean_relu(p_ref, cnt_ref)
    o_ref[...] = (
        jnp.dot(z, w_ref[...], preferred_element_type=jnp.float32) + b_ref[...]
    )


def _mean_relu_linear(p, cnt, Wt, b):
    return pl.pallas_call(
        _mrl_body,
        grid=(N_NODES // BM,),
        in_specs=[
            pl.BlockSpec((NC, BM, D), lambda i: (0, i, 0)),
            pl.BlockSpec((NC, BM, CW), lambda i: (0, i, 0)),
            pl.BlockSpec((D, D), lambda i: (0, 0)),
            pl.BlockSpec((1, D), lambda i: (0, 0)),
        ],
        out_specs=pl.BlockSpec((BM, D), lambda i: (i, 0)),
        out_shape=jax.ShapeDtypeStruct((N_NODES, D), jnp.float32),
    )(p, cnt, Wt, b.reshape(1, D))


def _readout_body(p_ref, cnt_ref, batch_ref, o_ref, acc_ref, gcnt_ref):
    i = pl.program_id(0)

    @pl.when(i == 0)
    def _():
        acc_ref[...] = jnp.zeros_like(acc_ref)
        gcnt_ref[...] = jnp.zeros_like(gcnt_ref)

    h2 = _mean_relu(p_ref, cnt_ref)
    b = batch_ref[0]
    onehot = (
        lax.broadcasted_iota(jnp.int32, (N_GRAPHS, BM), 0) == b
    ).astype(jnp.float32)
    acc_ref[...] += jnp.dot(onehot, h2, preferred_element_type=jnp.float32)
    gcnt_ref[...] += jnp.dot(
        onehot, jnp.ones((BM, D), jnp.float32), preferred_element_type=jnp.float32
    )

    @pl.when(i == pl.num_programs(0) - 1)
    def _():
        o_ref[...] = acc_ref[...] / jnp.maximum(gcnt_ref[...], 1.0)


def _readout(p, cnt, batch):
    return pl.pallas_call(
        _readout_body,
        grid=(N_NODES // BM,),
        in_specs=[
            pl.BlockSpec((NC, BM, D), lambda i: (0, i, 0)),
            pl.BlockSpec((NC, BM, CW), lambda i: (0, i, 0)),
            pl.BlockSpec((1, 1, BM), lambda i: (i, 0, 0)),
        ],
        out_specs=pl.BlockSpec((N_GRAPHS, D), lambda i: (0, 0)),
        out_shape=jax.ShapeDtypeStruct((N_GRAPHS, D), jnp.float32),
        scratch_shapes=[
            pltpu.VMEM((N_GRAPHS, D), jnp.float32),
            pltpu.VMEM((N_GRAPHS, D), jnp.float32),
        ],
    )(p, cnt, batch.reshape(N_NODES // BM, 1, BM))


_MESH = plsc.VectorSubcoreMesh(
    core_axis_name="c", subcore_axis_name="s", num_cores=NC, num_subcores=NS
)


def _edge_agg(h, src, dst, zrows):

    @functools.partial(
        pl.kernel,
        out_type=jax.ShapeDtypeStruct((NC * NP, D), jnp.float32),
        mesh=_MESH,
        scratch_types=[
            pltpu.VMEM((CHUNK,), jnp.int32),
            pltpu.VMEM((CHUNK,), jnp.int32),
            pltpu.VMEM((CHUNK, D), jnp.float32),
            pltpu.VMEM_SHARED((NP, D), jnp.float32),
            pltpu.SemaphoreType.DMA,
        ],
    )
    def k(h_hbm, src_hbm, dst_hbm, zr_hbm, acc_out,
          sidx, didx, rows, acc_sh, sem):
        cid = lax.axis_index("c")
        sid = lax.axis_index("s")
        r0 = sid * STRIPE
        nblk = STRIPE // CHUNK

        pltpu.sync_copy(zr_hbm, rows)
        for j in range(nblk):
            pltpu.sync_copy(rows, acc_sh.at[pl.ds(r0 + j * CHUNK, CHUNK)])
        plsc.subcore_barrier()

        def body(kk, carry):
            t = sid + NS * kk

            @pl.when(t < CHUNKS_PER_CORE)
            def _():
                off = (cid + NC * t) * CHUNK
                pltpu.sync_copy(src_hbm.at[pl.ds(off, CHUNK)], sidx)
                pltpu.sync_copy(dst_hbm.at[pl.ds(off, CHUNK)], didx)
                pltpu.async_copy(h_hbm.at[sidx], rows, sem).wait()
                pltpu.sync_copy(rows, acc_sh.at[didx], add=True)

            return carry

        nk = (CHUNKS_PER_CORE + NS - 1) // NS
        lax.fori_loop(0, nk, body, 0)

        plsc.subcore_barrier()
        for j in range(nblk):
            o = r0 + j * CHUNK
            pltpu.sync_copy(acc_sh.at[pl.ds(o, CHUNK)], rows)
            pltpu.sync_copy(rows, acc_out.at[pl.ds(cid * NP + o, CHUNK)])

    return k(h, src, dst, zrows).reshape(NC, NP, D)


def _degree_count(dst, zcnt, onesrows):

    @functools.partial(
        pl.kernel,
        out_type=jax.ShapeDtypeStruct((NC * NP, CW), jnp.float32),
        mesh=_MESH,
        scratch_types=[
            pltpu.VMEM((CHUNK,), jnp.int32),
            pltpu.VMEM((CHUNK, CW), jnp.float32),
            pltpu.VMEM((CHUNK, CW), jnp.float32),
            pltpu.VMEM_SHARED((NP, CW), jnp.float32),
        ],
    )
    def k(dst_hbm, zc_hbm, ones_hbm, cnt_out, didx, onesb, cbuf, cnt_sh):
        cid = lax.axis_index("c")
        sid = lax.axis_index("s")
        r0 = sid * STRIPE
        nblk = STRIPE // CHUNK

        pltpu.sync_copy(zc_hbm, cbuf)
        for j in range(nblk):
            pltpu.sync_copy(cbuf, cnt_sh.at[pl.ds(r0 + j * CHUNK, CHUNK)])
        pltpu.sync_copy(ones_hbm, onesb)
        plsc.subcore_barrier()

        def body(kk, carry):
            t = sid + NS * kk

            @pl.when(t < CHUNKS_PER_CORE)
            def _():
                off = (cid + NC * t) * CHUNK
                pltpu.sync_copy(dst_hbm.at[pl.ds(off, CHUNK)], didx)
                pltpu.sync_copy(onesb, cnt_sh.at[didx], add=True)

            return carry

        nk = (CHUNKS_PER_CORE + NS - 1) // NS
        lax.fori_loop(0, nk, body, 0)

        plsc.subcore_barrier()
        for j in range(nblk):
            o = r0 + j * CHUNK
            pltpu.sync_copy(cnt_sh.at[pl.ds(o, CHUNK)], cbuf)
            pltpu.sync_copy(cbuf, cnt_out.at[pl.ds(cid * NP + o, CHUNK)])

    return k(dst, zcnt, onesrows).reshape(NC, NP, CW)


@jax.jit
def kernel(x, edge_index, batch, W1, b1, W2, b2):
    src = edge_index[0]
    dst = edge_index[1]
    zrows = jnp.zeros((CHUNK, D), jnp.float32)
    zcnt = jnp.zeros((CHUNK, CW), jnp.float32)
    onesrows = jnp.ones((CHUNK, CW), jnp.float32)

    h1 = _linear(x, W1.T, b1)
    cnt = _degree_count(dst, zcnt, onesrows)
    p1 = _edge_agg(h1, src, dst, zrows)
    h2 = _mean_relu_linear(p1, cnt, W2.T, b2)
    p2 = _edge_agg(h2, src, dst, zrows)
    return _readout(p2, cnt, batch)

# --- scband reference (transcript-rebuilt; emitter-appended) ---
"""Pipeline reference for scband-gnn-57320633532848 (READ-ONLY COPY).

The authoritative reference and input builder live on the scoring server;
editing this copy changes nothing except your own understanding.
"""

import jax, jax.numpy as jnp
import numpy as np

NUM_GRAPHS = 128

def setup_inputs(seed: int = 0) -> dict:
    key = jax.random.key(seed)
    ks = jax.random.split(key, 8)
    N, E, D_IN, D_HID, D_OUT = 10000, 320000, 128, 128, 128
    x = jax.random.normal(ks[0], (N, D_IN), dtype=jnp.float32)
    edge_index = jax.random.randint(ks[1], (2, E), 0, N, dtype=jnp.int32)
    batch = jnp.sort(jax.random.randint(ks[2], (N,), 0, NUM_GRAPHS, dtype=jnp.int32))
    s1 = 1.0 / np.sqrt(D_IN)
    W1 = jax.random.uniform(ks[3], (D_HID, D_IN), minval=-s1, maxval=s1, dtype=jnp.float32)
    b1 = jax.random.uniform(ks[4], (D_HID,), minval=-s1, maxval=s1, dtype=jnp.float32)
    s2 = 1.0 / np.sqrt(D_HID)
    W2 = jax.random.uniform(ks[5], (D_OUT, D_HID), minval=-s2, maxval=s2, dtype=jnp.float32)
    b2 = jax.random.uniform(ks[6], (D_OUT,), minval=-s2, maxval=s2, dtype=jnp.float32)
    return {"x": x, "edge_index": edge_index, "batch": batch, "W1": W1, "b1": b1, "W2": W2, "b2": b2}

def _scatter_mean(vals, idx, num_segments):
    s = jax.ops.segment_sum(vals, idx, num_segments=num_segments)
    cnt = jax.ops.segment_sum(jnp.ones((vals.shape[0],), vals.dtype), idx, num_segments=num_segments)
    return s / jnp.maximum(cnt, 1.0)[:, None]

def _gcn_layer(x, edge_index, W, b):
    h = x @ W.T + b
    in_node, out_node = edge_index[0], edge_index[1]
    num_nodes = h.shape[0]
    out = _scatter_mean(h[in_node], out_node, num_nodes)
    return jax.nn.relu(out)

def reference(x, edge_index, batch, W1, b1, W2, b2):
    h = _gcn_layer(x, edge_index, W1, b1)
    h = _gcn_layer(h, edge_index, W2, b2)
    out = _scatter_mean(h, batch, NUM_GRAPHS)
    return out

if __name__ == "__main__":
    import jax
    _d = setup_inputs()
    print(jax.jit(kernel)(*tuple(_d.values())))

</pallas_src>

<mosaic_0001>
#map = affine_map<(d0, d1) -> (0, 0)>
#map1 = affine_map<(d0, d1) -> (0)>
module attributes {stable_mosaic.version = 14 : i64} {
  func.func @k(%arg0: i32, %arg1: i32, %arg2: memref<10000x128xf32, #tpu.memory_space<hbm>>, %arg3: memref<320000xi32, #tpu.memory_space<hbm>>, %arg4: memref<320000xi32, #tpu.memory_space<hbm>>, %arg5: memref<128x128xf32, #tpu.memory_space<hbm>>, %arg6: memref<20480x128xf32, #tpu.memory_space<hbm>>, %arg7: memref<128xi32, #tpu.memory_space<vmem>>, %arg8: memref<128xi32, #tpu.memory_space<vmem>>, %arg9: memref<128x128xf32, #tpu.memory_space<vmem>>, %arg10: memref<10240x128xf32, #tpu.memory_space<vmem_shared>>, %arg11: memref<!tpu.dma_semaphore, #tpu.memory_space<semaphore_mem>>) attributes {dimension_semantics = [#tpu.dimension_semantics<core_parallel>, #tpu.dimension_semantics<subcore_parallel>], iteration_bounds = array<i64: 2, 16>, scalar_prefetch = 0 : i64, scratch_operands = 5 : i64, tpu.core_type = #tpu.core_type<sc_vector_subcore>, window_params = [{transform_indices = #map}, {transform_indices = #map1}, {transform_indices = #map1}, {transform_indices = #map}, {transform_indices = #map}]} {
    %mul3A = arith.constant 640 : i32
    %mul3A_0 = arith.muli %arg1, %mul3A : i32
    "tpu.region"() ({
      %run_scoped3A = tpu.sem_alloc : memref<!tpu.dma_semaphore, #tpu.memory_space<semaphore_mem>>
      tpu.enqueue_dma source(%arg5 : memref<128x128xf32, #tpu.memory_space<hbm>>) target(%arg9 : memref<128x128xf32, #tpu.memory_space<vmem>>) target_semaphore(%run_scoped3A : memref<!tpu.dma_semaphore, #tpu.memory_space<semaphore_mem>>)
      tpu.wait_dma2 semaphore(%run_scoped3A : memref<!tpu.dma_semaphore, #tpu.memory_space<semaphore_mem>>) src(%arg5 : memref<128x128xf32, #tpu.memory_space<hbm>>) dst(%arg9 : memref<128x128xf32, #tpu.memory_space<vmem>>)
      tpu.yield
    }) : () -> ()
    %add3A = arith.constant 0 : i32
    %add3A_1 = arith.addi %mul3A_0, %add3A : i32
    "tpu.region"() ({
      %run_scoped3A = tpu.sem_alloc : memref<!tpu.dma_semaphore, #tpu.memory_space<semaphore_mem>>
      %dma_start3A = arith.constant 0 : i32
      %dma_start3A_41 = tpu.memref_slice %arg10[%add3A_1, %dma_start3A] : memref<10240x128xf32, #tpu.memory_space<vmem_shared>> -> memref<128x128xf32, #tpu.memory_space<vmem_shared>>
      %dma_start3A_42 = arith.constant 0 : i32
      %dma_start3A_43 = tpu.memref_slice %arg10[%add3A_1, %dma_start3A_42] : memref<10240x128xf32, #tpu.memory_space<vmem_shared>> -> memref<128x128xf32, #tpu.memory_space<vmem_shared>>
      tpu.enqueue_dma source(%arg9 : memref<128x128xf32, #tpu.memory_space<vmem>>) target(%dma_start3A_43 : memref<128x128xf32, #tpu.memory_space<vmem_shared>>) target_semaphore(%run_scoped3A : memref<!tpu.dma_semaphore, #tpu.memory_space<semaphore_mem>>)
      %dma_wait3A = arith.constant 0 : i32
      %dma_wait3A_44 = tpu.memref_slice %arg10[%add3A_1, %dma_wait3A] : memref<10240x128xf32, #tpu.memory_space<vmem_shared>> -> memref<128x128xf32, #tpu.memory_space<vmem_shared>>
      %dma_wait3A_45 = arith.constant 0 : i32
      %dma_wait3A_46 = tpu.memref_slice %arg10[%add3A_1, %dma_wait3A_45] : memref<10240x128xf32, #tpu.memory_space<vmem_shared>> -> memref<128x128xf32, #tpu.memory_space<vmem_shared>>
      tpu.wait_dma2 semaphore(%run_scoped3A : memref<!tpu.dma_semaphore, #tpu.memory_space<semaphore_mem>>) src(%arg9 : memref<128x128xf32, #tpu.memory_space<vmem>>) dst(%dma_wait3A_46 : memref<128x128xf32, #tpu.memory_space<vmem_shared>>)
      tpu.yield
    }) : () -> ()
    %add3A_2 = arith.constant 128 : i32
    %add3A_3 = arith.addi %mul3A_0, %add3A_2 : i32
    "tpu.region"() ({
      %run_scoped3A = tpu.sem_alloc : memref<!tpu.dma_semaphore, #tpu.memory_space<semaphore_mem>>
      %dma_start3A = arith.constant 0 : i32
      %dma_start3A_41 = tpu.memref_slice %arg10[%add3A_3, %dma_start3A] : memref<10240x128xf32, #tpu.memory_space<vmem_shared>> -> memref<128x128xf32, #tpu.memory_space<vmem_shared>>
      %dma_start3A_42 = arith.constant 0 : i32
      %dma_start3A_43 = tpu.memref_slice %arg10[%add3A_3, %dma_start3A_42] : memref<10240x128xf32, #tpu.memory_space<vmem_shared>> -> memref<128x128xf32, #tpu.memory_space<vmem_shared>>
      tpu.enqueue_dma source(%arg9 : memref<128x128xf32, #tpu.memory_space<vmem>>) target(%dma_start3A_43 : memref<128x128xf32, #tpu.memory_space<vmem_shared>>) target_semaphore(%run_scoped3A : memref<!tpu.dma_semaphore, #tpu.memory_space<semaphore_mem>>)
      %dma_wait3A = arith.constant 0 : i32
      %dma_wait3A_44 = tpu.memref_slice %arg10[%add3A_3, %dma_wait3A] : memref<10240x128xf32, #tpu.memory_space<vmem_shared>> -> memref<128x128xf32, #tpu.memory_space<vmem_shared>>
      %dma_wait3A_45 = arith.constant 0 : i32
      %dma_wait3A_46 = tpu.memref_slice %arg10[%add3A_3, %dma_wait3A_45] : memref<10240x128xf32, #tpu.memory_space<vmem_shared>> -> memref<128x128xf32, #tpu.memory_space<vmem_shared>>
      tpu.wait_dma2 semaphore(%run_scoped3A : memref<!tpu.dma_semaphore, #tpu.memory_space<semaphore_mem>>) src(%arg9 : memref<128x128xf32, #tpu.memory_space<vmem>>) dst(%dma_wait3A_46 : memref<128x128xf32, #tpu.memory_space<vmem_shared>>)
      tpu.yield
    }) : () -> ()
    %add3A_4 = arith.constant 256 : i32
    %add3A_5 = arith.addi %mul3A_0, %add3A_4 : i32
    "tpu.region"() ({
      %run_scoped3A = tpu.sem_alloc : memref<!tpu.dma_semaphore, #tpu.memory_space<semaphore_mem>>
      %dma_start3A = arith.constant 0 : i32
      %dma_start3A_41 = tpu.memref_slice %arg10[%add3A_5, %dma_start3A] : memref<10240x128xf32, #tpu.memory_space<vmem_shared>> -> memref<128x128xf32, #tpu.memory_space<vmem_shared>>
      %dma_start3A_42 = arith.constant 0 : i32
      %dma_start3A_43 = tpu.memref_slice %arg10[%add3A_5, %dma_start3A_42] : memref<10240x128xf32, #tpu.memory_space<vmem_shared>> -> memref<128x128xf32, #tpu.memory_space<vmem_shared>>
      tpu.enqueue_dma source(%arg9 : memref<128x128xf32, #tpu.memory_space<vmem>>) target(%dma_start3A_43 : memref<128x128xf32, #tpu.memory_space<vmem_shared>>) target_semaphore(%run_scoped3A : memref<!tpu.dma_semaphore, #tpu.memory_space<semaphore_mem>>)
      %dma_wait3A = arith.constant 0 : i32
      %dma_wait3A_44 = tpu.memref_slice %arg10[%add3A_5, %dma_wait3A] : memref<10240x128xf32, #tpu.memory_space<vmem_shared>> -> memref<128x128xf32, #tpu.memory_space<vmem_shared>>
      %dma_wait3A_45 = arith.constant 0 : i32
      %dma_wait3A_46 = tpu.memref_slice %arg10[%add3A_5, %dma_wait3A_45] : memref<10240x128xf32, #tpu.memory_space<vmem_shared>> -> memref<128x128xf32, #tpu.memory_space<vmem_shared>>
      tpu.wait_dma2 semaphore(%run_scoped3A : memref<!tpu.dma_semaphore, #tpu.memory_space<semaphore_mem>>) src(%arg9 : memref<128x128xf32, #tpu.memory_space<vmem>>) dst(%dma_wait3A_46 : memref<128x128xf32, #tpu.memory_space<vmem_shared>>)
      tpu.yield
    }) : () -> ()
    %add3A_6 = arith.constant 384 : i32
    %add3A_7 = arith.addi %mul3A_0, %add3A_6 : i32
    "tpu.region"() ({
      %run_scoped3A = tpu.sem_alloc : memref<!tpu.dma_semaphore, #tpu.memory_space<semaphore_mem>>
      %dma_start3A = arith.constant 0 : i32
      %dma_start3A_41 = tpu.memref_slice %arg10[%add3A_7, %dma_start3A] : memref<10240x128xf32, #tpu.memory_space<vmem_shared>> -> memref<128x128xf32, #tpu.memory_space<vmem_shared>>
      %dma_start3A_42 = arith.constant 0 : i32
      %dma_start3A_43 = tpu.memref_slice %arg10[%add3A_7, %dma_start3A_42] : memref<10240x128xf32, #tpu.memory_space<vmem_shared>> -> memref<128x128xf32, #tpu.memory_space<vmem_shared>>
      tpu.enqueue_dma source(%arg9 : memref<128x128xf32, #tpu.memory_space<vmem>>) target(%dma_start3A_43 : memref<128x128xf32, #tpu.memory_space<vmem_shared>>) target_semaphore(%run_scoped3A : memref<!tpu.dma_semaphore, #tpu.memory_space<semaphore_mem>>)
      %dma_wait3A = arith.constant 0 : i32
      %dma_wait3A_44 = tpu.memref_slice %arg10[%add3A_7, %dma_wait3A] : memref<10240x128xf32, #tpu.memory_space<vmem_shared>> -> memref<128x128xf32, #tpu.memory_space<vmem_shared>>
      %dma_wait3A_45 = arith.constant 0 : i32
      %dma_wait3A_46 = tpu.memref_slice %arg10[%add3A_7, %dma_wait3A_45] : memref<10240x128xf32, #tpu.memory_space<vmem_shared>> -> memref<128x128xf32, #tpu.memory_space<vmem_shared>>
      tpu.wait_dma2 semaphore(%run_scoped3A : memref<!tpu.dma_semaphore, #tpu.memory_space<semaphore_mem>>) src(%arg9 : memref<128x128xf32, #tpu.memory_space<vmem>>) dst(%dma_wait3A_46 : memref<128x128xf32, #tpu.memory_space<vmem_shared>>)
      tpu.yield
    }) : () -> ()
    %add3A_8 = arith.constant 512 : i32
    %add3A_9 = arith.addi %mul3A_0, %add3A_8 : i32
    "tpu.region"() ({
      %run_scoped3A = tpu.sem_alloc : memref<!tpu.dma_semaphore, #tpu.memory_space<semaphore_mem>>
      %dma_start3A = arith.constant 0 : i32
      %dma_start3A_41 = tpu.memref_slice %arg10[%add3A_9, %dma_start3A] : memref<10240x128xf32, #tpu.memory_space<vmem_shared>> -> memref<128x128xf32, #tpu.memory_space<vmem_shared>>
      %dma_start3A_42 = arith.constant 0 : i32
      %dma_start3A_43 = tpu.memref_slice %arg10[%add3A_9, %dma_start3A_42] : memref<10240x128xf32, #tpu.memory_space<vmem_shared>> -> memref<128x128xf32, #tpu.memory_space<vmem_shared>>
      tpu.enqueue_dma source(%arg9 : memref<128x128xf32, #tpu.memory_space<vmem>>) target(%dma_start3A_43 : memref<128x128xf32, #tpu.memory_space<vmem_shared>>) target_semaphore(%run_scoped3A : memref<!tpu.dma_semaphore, #tpu.memory_space<semaphore_mem>>)
      %dma_wait3A = arith.constant 0 : i32
      %dma_wait3A_44 = tpu.memref_slice %arg10[%add3A_9, %dma_wait3A] : memref<10240x128xf32, #tpu.memory_space<vmem_shared>> -> memref<128x128xf32, #tpu.memory_space<vmem_shared>>
      %dma_wait3A_45 = arith.constant 0 : i32
      %dma_wait3A_46 = tpu.memref_slice %arg10[%add3A_9, %dma_wait3A_45] : memref<10240x128xf32, #tpu.memory_space<vmem_shared>> -> memref<128x128xf32, #tpu.memory_space<vmem_shared>>
      tpu.wait_dma2 semaphore(%run_scoped3A : memref<!tpu.dma_semaphore, #tpu.memory_space<semaphore_mem>>) src(%arg9 : memref<128x128xf32, #tpu.memory_space<vmem>>) dst(%dma_wait3A_46 : memref<128x128xf32, #tpu.memory_space<vmem_shared>>)
      tpu.yield
    }) : () -> ()
    %barrier3A = arith.constant 0 : index
    tpu.barrier barrier_id(%barrier3A)
    %scan3A = arith.constant 0 : i32
    %scan3A_10 = arith.constant 0 : i32
    %scan3A_11 = arith.constant 79 : i32
    %scan3A_12 = arith.addi %scan3A_10, %scan3A_11 : i32
    %scan3A_13 = arith.constant 1 : i32
    scf.for %scan3A_41 = %scan3A_10 to %scan3A_12 step %scan3A_13  : i32 {
      %mul3A_42 = arith.constant 16 : i32
      %mul3A_43 = arith.muli %mul3A_42, %scan3A_41 : i32
      %add3A_44 = arith.addi %arg1, %mul3A_43 : i32
      %lt3A = arith.constant 1250 : i32
      %lt3A_45 = arith.cmpi slt, %add3A_44, %lt3A : i32
      %convert_element_type3A = arith.extui %lt3A_45 : i1 to i32
      %cond3A = arith.constant 0 : i32
      %cond3A_46 = arith.cmpi ne, %convert_element_type3A, %cond3A : i32
      scf.if %cond3A_46 {
        %mul3A_47 = arith.constant 2 : i32
        %mul3A_48 = arith.muli %mul3A_47, %add3A_44 : i32
        %add3A_49 = arith.addi %arg0, %mul3A_48 : i32
        %mul3A_50 = arith.constant 128 : i32
        %mul3A_51 = arith.muli %add3A_49, %mul3A_50 : i32
        "tpu.region"() ({
          %run_scoped3A = tpu.sem_alloc : memref<!tpu.dma_semaphore, #tpu.memory_space<semaphore_mem>>
          %dma_start3A_56 = tpu.memref_slice %arg3[%mul3A_51] : memref<320000xi32, #tpu.memory_space<hbm>> -> memref<128xi32, #tpu.memory_space<hbm>>
          %dma_start3A_57 = tpu.memref_slice %arg3[%mul3A_51] : memref<320000xi32, #tpu.memory_space<hbm>> -> memref<128xi32, #tpu.memory_space<hbm>>
          tpu.enqueue_dma source(%dma_start3A_57 : memref<128xi32, #tpu.memory_space<hbm>>) target(%arg7 : memref<128xi32, #tpu.memory_space<vmem>>) target_semaphore(%run_scoped3A : memref<!tpu.dma_semaphore, #tpu.memory_space<semaphore_mem>>)
          %dma_wait3A_58 = tpu.memref_slice %arg3[%mul3A_51] : memref<320000xi32, #tpu.memory_space<hbm>> -> memref<128xi32, #tpu.memory_space<hbm>>
          %dma_wait3A_59 = tpu.memref_slice %arg3[%mul3A_51] : memref<320000xi32, #tpu.memory_space<hbm>> -> memref<128xi32, #tpu.memory_space<hbm>>
          tpu.wait_dma2 semaphore(%run_scoped3A : memref<!tpu.dma_semaphore, #tpu.memory_space<semaphore_mem>>) src(%dma_wait3A_59 : memref<128xi32, #tpu.memory_space<hbm>>) dst(%arg7 : memref<128xi32, #tpu.memory_space<vmem>>)
          tpu.yield
        }) : () -> ()
        "tpu.region"() ({
          %run_scoped3A = tpu.sem_alloc : memref<!tpu.dma_semaphore, #tpu.memory_space<semaphore_mem>>
          %dma_start3A_56 = tpu.memref_slice %arg4[%mul3A_51] : memref<320000xi32, #tpu.memory_space<hbm>> -> memref<128xi32, #tpu.memory_space<hbm>>
          %dma_start3A_57 = tpu.memref_slice %arg4[%mul3A_51] : memref<320000xi32, #tpu.memory_space<hbm>> -> memref<128xi32, #tpu.memory_space<hbm>>
          tpu.enqueue_dma source(%dma_start3A_57 : memref<128xi32, #tpu.memory_space<hbm>>) target(%arg8 : memref<128xi32, #tpu.memory_space<vmem>>) target_semaphore(%run_scoped3A : memref<!tpu.dma_semaphore, #tpu.memory_space<semaphore_mem>>)
          %dma_wait3A_58 = tpu.memref_slice %arg4[%mul3A_51] : memref<320000xi32, #tpu.memory_space<hbm>> -> memref<128xi32, #tpu.memory_space<hbm>>
          %dma_wait3A_59 = tpu.memref_slice %arg4[%mul3A_51] : memref<320000xi32, #tpu.memory_space<hbm>> -> memref<128xi32, #tpu.memory_space<hbm>>
          tpu.wait_dma2 semaphore(%run_scoped3A : memref<!tpu.dma_semaphore, #tpu.memory_space<semaphore_mem>>) src(%dma_wait3A_59 : memref<128xi32, #tpu.memory_space<hbm>>) dst(%arg8 : memref<128xi32, #tpu.memory_space<vmem>>)
          tpu.yield
        }) : () -> ()
        %dma_start3A = arith.constant 0 : i32
        %dma_start3A_52 = arith.constant 0 : i32
        %dma_start3A_53 = tpu.memref_slice %arg2[%dma_start3A, %dma_start3A_52] : memref<10000x128xf32, #tpu.memory_space<hbm>> -> memref<10000x128xf32, #tpu.memory_space<hbm>>
        tpu.enqueue_indirect_dma source(%dma_start3A_53 : memref<10000x128xf32, #tpu.memory_space<hbm>>) target(%arg9 : memref<128x128xf32, #tpu.memory_space<vmem>>) offsets(%arg7 : memref<128xi32, #tpu.memory_space<vmem>>) semaphore(%arg11 : memref<!tpu.dma_semaphore, #tpu.memory_space<semaphore_mem>>)
        %dma_wait3A = arith.constant 0 : i32
        %dma_wait3A_54 = arith.constant 0 : i32
        %dma_wait3A_55 = tpu.memref_slice %arg2[%dma_wait3A, %dma_wait3A_54] : memref<10000x128xf32, #tpu.memory_space<hbm>> -> memref<10000x128xf32, #tpu.memory_space<hbm>>
        tpu.wait_indirect_dma semaphore(%arg11 : memref<!tpu.dma_semaphore, #tpu.memory_space<semaphore_mem>>) src(%dma_wait3A_55 : memref<10000x128xf32, #tpu.memory_space<hbm>>) dst(%arg9 : memref<128x128xf32, #tpu.memory_space<vmem>>)
        "tpu.region"() ({
          %run_scoped3A = tpu.sem_alloc : memref<!tpu.dma_semaphore, #tpu.memory_space<semaphore_mem>>
          %dma_start3A_56 = arith.constant 0 : i32
          %dma_start3A_57 = arith.constant 0 : i32
          %dma_start3A_58 = tpu.memref_slice %arg10[%dma_start3A_56, %dma_start3A_57] : memref<10240x128xf32, #tpu.memory_space<vmem_shared>> -> memref<10240x128xf32, #tpu.memory_space<vmem_shared>>
          tpu.enqueue_indirect_dma source(%arg9 : memref<128x128xf32, #tpu.memory_space<vmem>>) target(%dma_start3A_58 : memref<10240x128xf32, #tpu.memory_space<vmem_shared>>) offsets(%arg8 : memref<128xi32, #tpu.memory_space<vmem>>) semaphore(%run_scoped3A : memref<!tpu.dma_semaphore, #tpu.memory_space<semaphore_mem>>) {add = true}
          %dma_wait3A_59 = arith.constant 0 : i32
          %dma_wait3A_60 = arith.constant 0 : i32
          %dma_wait3A_61 = tpu.memref_slice %arg10[%dma_wait3A_59, %dma_wait3A_60] : memref<10240x128xf32, #tpu.memory_space<vmem_shared>> -> memref<10240x128xf32, #tpu.memory_space<vmem_shared>>
          tpu.wait_indirect_dma semaphore(%run_scoped3A : memref<!tpu.dma_semaphore, #tpu.memory_space<semaphore_mem>>) src(%arg9 : memref<128x128xf32, #tpu.memory_space<vmem>>) dst(%dma_wait3A_61 : memref<10240x128xf32, #tpu.memory_space<vmem_shared>>)
          tpu.yield
        }) : () -> ()
      } else {
      }
    }
    %scan3A_14 = arith.constant 79 : i32
    %barrier3A_15 = arith.constant 0 : index
    tpu.barrier barrier_id(%barrier3A_15)
    %add3A_16 = arith.constant 0 : i32
    %add3A_17 = arith.addi %mul3A_0, %add3A_16 : i32
    "tpu.region"() ({
      %run_scoped3A = tpu.sem_alloc : memref<!tpu.dma_semaphore, #tpu.memory_space<semaphore_mem>>
      %dma_start3A = arith.constant 0 : i32
      %dma_start3A_41 = tpu.memref_slice %arg10[%add3A_17, %dma_start3A] : memref<10240x128xf32, #tpu.memory_space<vmem_shared>> -> memref<128x128xf32, #tpu.memory_space<vmem_shared>>
      %dma_start3A_42 = arith.constant 0 : i32
      %dma_start3A_43 = tpu.memref_slice %arg10[%add3A_17, %dma_start3A_42] : memref<10240x128xf32, #tpu.memory_space<vmem_shared>> -> memref<128x128xf32, #tpu.memory_space<vmem_shared>>
      tpu.enqueue_dma source(%dma_start3A_43 : memref<128x128xf32, #tpu.memory_space<vmem_shared>>) target(%arg9 : memref<128x128xf32, #tpu.memory_space<vmem>>) target_semaphore(%run_scoped3A : memref<!tpu.dma_semaphore, #tpu.memory_space<semaphore_mem>>)
      %dma_wait3A = arith.constant 0 : i32
      %dma_wait3A_44 = tpu.memref_slice %arg10[%add3A_17, %dma_wait3A] : memref<10240x128xf32, #tpu.memory_space<vmem_shared>> -> memref<128x128xf32, #tpu.memory_space<vmem_shared>>
      %dma_wait3A_45 = arith.constant 0 : i32
      %dma_wait3A_46 = tpu.memref_slice %arg10[%add3A_17, %dma_wait3A_45] : memref<10240x128xf32, #tpu.memory_space<vmem_shared>> -> memref<128x128xf32, #tpu.memory_space<vmem_shared>>
      tpu.wait_dma2 semaphore(%run_scoped3A : memref<!tpu.dma_semaphore, #tpu.memory_space<semaphore_mem>>) src(%dma_wait3A_46 : memref<128x128xf32, #tpu.memory_space<vmem_shared>>) dst(%arg9 : memref<128x128xf32, #tpu.memory_space<vmem>>)
      tpu.yield
    }) : () -> ()
    %mul3A_18 = arith.constant 10240 : i32
    %mul3A_19 = arith.muli %arg0, %mul3A_18 : i32
    %add3A_20 = arith.addi %mul3A_19, %add3A_17 : i32
    "tpu.region"() ({
      %run_scoped3A = tpu.sem_alloc : memref<!tpu.dma_semaphore, #tpu.memory_space<semaphore_mem>>
      %dma_start3A = arith.constant 0 : i32
      %dma_start3A_41 = tpu.memref_slice %arg6[%add3A_20, %dma_start3A] : memref<20480x128xf32, #tpu.memory_space<hbm>> -> memref<128x128xf32, #tpu.memory_space<hbm>>
      %dma_start3A_42 = arith.constant 0 : i32
      %dma_start3A_43 = tpu.memref_slice %arg6[%add3A_20, %dma_start3A_42] : memref<20480x128xf32, #tpu.memory_space<hbm>> -> memref<128x128xf32, #tpu.memory_space<hbm>>
      tpu.enqueue_dma source(%arg9 : memref<128x128xf32, #tpu.memory_space<vmem>>) target(%dma_start3A_43 : memref<128x128xf32, #tpu.memory_space<hbm>>) target_semaphore(%run_scoped3A : memref<!tpu.dma_semaphore, #tpu.memory_space<semaphore_mem>>)
      %dma_wait3A = arith.constant 0 : i32
      %dma_wait3A_44 = tpu.memref_slice %arg6[%add3A_20, %dma_wait3A] : memref<20480x128xf32, #tpu.memory_space<hbm>> -> memref<128x128xf32, #tpu.memory_space<hbm>>
      %dma_wait3A_45 = arith.constant 0 : i32
      %dma_wait3A_46 = tpu.memref_slice %arg6[%add3A_20, %dma_wait3A_45] : memref<20480x128xf32, #tpu.memory_space<hbm>> -> memref<128x128xf32, #tpu.memory_space<hbm>>
      tpu.wait_dma2 semaphore(%run_scoped3A : memref<!tpu.dma_semaphore, #tpu.memory_space<semaphore_mem>>) src(%arg9 : memref<128x128xf32, #tpu.memory_space<vmem>>) dst(%dma_wait3A_46 : memref<128x128xf32, #tpu.memory_space<hbm>>)
      tpu.yield
    }) : () -> ()
    %add3A_21 = arith.constant 128 : i32
    %add3A_22 = arith.addi %mul3A_0, %add3A_21 : i32
    "tpu.region"() ({
      %run_scoped3A = tpu.sem_alloc : memref<!tpu.dma_semaphore, #tpu.memory_space<semaphore_mem>>
      %dma_start3A = arith.constant 0 : i32
      %dma_start3A_41 = tpu.memref_slice %arg10[%add3A_22, %dma_start3A] : memref<10240x128xf32, #tpu.memory_space<vmem_shared>> -> memref<128x128xf32, #tpu.memory_space<vmem_shared>>
      %dma_start3A_42 = arith.constant 0 : i32
      %dma_start3A_43 = tpu.memref_slice %arg10[%add3A_22, %dma_start3A_42] : memref<10240x128xf32, #tpu.memory_space<vmem_shared>> -> memref<128x128xf32, #tpu.memory_space<vmem_shared>>
      tpu.enqueue_dma source(%dma_start3A_43 : memref<128x128xf32, #tpu.memory_space<vmem_shared>>) target(%arg9 : memref<128x128xf32, #tpu.memory_space<vmem>>) target_semaphore(%run_scoped3A : memref<!tpu.dma_semaphore, #tpu.memory_space<semaphore_mem>>)
      %dma_wait3A = arith.constant 0 : i32
      %dma_wait3A_44 = tpu.memref_slice %arg10[%add3A_22, %dma_wait3A] : memref<10240x128xf32, #tpu.memory_space<vmem_shared>> -> memref<128x128xf32, #tpu.memory_space<vmem_shared>>
      %dma_wait3A_45 = arith.constant 0 : i32
      %dma_wait3A_46 = tpu.memref_slice %arg10[%add3A_22, %dma_wait3A_45] : memref<10240x128xf32, #tpu.memory_space<vmem_shared>> -> memref<128x128xf32, #tpu.memory_space<vmem_shared>>
      tpu.wait_dma2 semaphore(%run_scoped3A : memref<!tpu.dma_semaphore, #tpu.memory_space<semaphore_mem>>) src(%dma_wait3A_46 : memref<128x128xf32, #tpu.memory_space<vmem_shared>>) dst(%arg9 : memref<128x128xf32, #tpu.memory_space<vmem>>)
      tpu.yield
    }) : () -> ()
    %mul3A_23 = arith.constant 10240 : i32
    %mul3A_24 = arith.muli %arg0, %mul3A_23 : i32
    %add3A_25 = arith.addi %mul3A_24, %add3A_22 : i32
    "tpu.region"() ({
      %run_scoped3A = tpu.sem_alloc : memref<!tpu.dma_semaphore, #tpu.memory_space<semaphore_mem>>
      %dma_start3A = arith.constant 0 : i32
      %dma_start3A_41 = tpu.memref_slice %arg6[%add3A_25, %dma_start3A] : memref<20480x128xf32, #tpu.memory_space<hbm>> -> memref<128x128xf32, #tpu.memory_space<hbm>>
      %dma_start3A_42 = arith.constant 0 : i32
      %dma_start3A_43 = tpu.memref_slice %arg6[%add3A_25, %dma_start3A_42] : memref<20480x128xf32, #tpu.memory_space<hbm>> -> memref<128x128xf32, #tpu.memory_space<hbm>>
      tpu.enqueue_dma source(%arg9 : memref<128x128xf32, #tpu.memory_space<vmem>>) target(%dma_start3A_43 : memref<128x128xf32, #tpu.memory_space<hbm>>) target_semaphore(%run_scoped3A : memref<!tpu.dma_semaphore, #tpu.memory_space<semaphore_mem>>)
      %dma_wait3A = arith.constant 0 : i32
      %dma_wait3A_44 = tpu.memref_slice %arg6[%add3A_25, %dma_wait3A] : memref<20480x128xf32, #tpu.memory_space<hbm>> -> memref<128x128xf32, #tpu.memory_space<hbm>>
      %dma_wait3A_45 = arith.constant 0 : i32
      %dma_wait3A_46 = tpu.memref_slice %arg6[%add3A_25, %dma_wait3A_45] : memref<20480x128xf32, #tpu.memory_space<hbm>> -> memref<128x128xf32, #tpu.memory_space<hbm>>
      tpu.wait_dma2 semaphore(%run_scoped3A : memref<!tpu.dma_semaphore, #tpu.memory_space<semaphore_mem>>) src(%arg9 : memref<128x128xf32, #tpu.memory_space<vmem>>) dst(%dma_wait3A_46 : memref<128x128xf32, #tpu.memory_space<hbm>>)
      tpu.yield
    }) : () -> ()
    %add3A_26 = arith.constant 256 : i32
    %add3A_27 = arith.addi %mul3A_0, %add3A_26 : i32
    "tpu.region"() ({
      %run_scoped3A = tpu.sem_alloc : memref<!tpu.dma_semaphore, #tpu.memory_space<semaphore_mem>>
      %dma_start3A = arith.constant 0 : i32
      %dma_start3A_41 = tpu.memref_slice %arg10[%add3A_27, %dma_start3A] : memref<10240x128xf32, #tpu.memory_space<vmem_shared>> -> memref<128x128xf32, #tpu.memory_space<vmem_shared>>
      %dma_start3A_42 = arith.constant 0 : i32
      %dma_start3A_43 = tpu.memref_slice %arg10[%add3A_27, %dma_start3A_42] : memref<10240x128xf32, #tpu.memory_space<vmem_shared>> -> memref<128x128xf32, #tpu.memory_space<vmem_shared>>
      tpu.enqueue_dma source(%dma_start3A_43 : memref<128x128xf32, #tpu.memory_space<vmem_shared>>) target(%arg9 : memref<128x128xf32, #tpu.memory_space<vmem>>) target_semaphore(%run_scoped3A : memref<!tpu.dma_semaphore, #tpu.memory_space<semaphore_mem>>)
      %dma_wait3A = arith.constant 0 : i32
      %dma_wait3A_44 = tpu.memref_slice %arg10[%add3A_27, %dma_wait3A] : memref<10240x128xf32, #tpu.memory_space<vmem_shared>> -> memref<128x128xf32, #tpu.memory_space<vmem_shared>>
      %dma_wait3A_45 = arith.constant 0 : i32
      %dma_wait3A_46 = tpu.memref_slice %arg10[%add3A_27, %dma_wait3A_45] : memref<10240x128xf32, #tpu.memory_space<vmem_shared>> -> memref<128x128xf32, #tpu.memory_space<vmem_shared>>
      tpu.wait_dma2 semaphore(%run_scoped3A : memref<!tpu.dma_semaphore, #tpu.memory_space<semaphore_mem>>) src(%dma_wait3A_46 : memref<128x128xf32, #tpu.memory_space<vmem_shared>>) dst(%arg9 : memref<128x128xf32, #tpu.memory_space<vmem>>)
      tpu.yield
    }) : () -> ()
    %mul3A_28 = arith.constant 10240 : i32
    %mul3A_29 = arith.muli %arg0, %mul3A_28 : i32
    %add3A_30 = arith.addi %mul3A_29, %add3A_27 : i32
    "tpu.region"() ({
      %run_scoped3A = tpu.sem_alloc : memref<!tpu.dma_semaphore, #tpu.memory_space<semaphore_mem>>
      %dma_start3A = arith.constant 0 : i32
      %dma_start3A_41 = tpu.memref_slice %arg6[%add3A_30, %dma_start3A] : memref<20480x128xf32, #tpu.memory_space<hbm>> -> memref<128x128xf32, #tpu.memory_space<hbm>>
      %dma_start3A_42 = arith.constant 0 : i32
      %dma_start3A_43 = tpu.memref_slice %arg6[%add3A_30, %dma_start3A_42] : memref<20480x128xf32, #tpu.memory_space<hbm>> -> memref<128x128xf32, #tpu.memory_space<hbm>>
      tpu.enqueue_dma source(%arg9 : memref<128x128xf32, #tpu.memory_space<vmem>>) target(%dma_start3A_43 : memref<128x128xf32, #tpu.memory_space<hbm>>) target_semaphore(%run_scoped3A : memref<!tpu.dma_semaphore, #tpu.memory_space<semaphore_mem>>)
      %dma_wait3A = arith.constant 0 : i32
      %dma_wait3A_44 = tpu.memref_slice %arg6[%add3A_30, %dma_wait3A] : memref<20480x128xf32, #tpu.memory_space<hbm>> -> memref<128x128xf32, #tpu.memory_space<hbm>>
      %dma_wait3A_45 = arith.constant 0 : i32
      %dma_wait3A_46 = tpu.memref_slice %arg6[%add3A_30, %dma_wait3A_45] : memref<20480x128xf32, #tpu.memory_space<hbm>> -> memref<128x128xf32, #tpu.memory_space<hbm>>
      tpu.wait_dma2 semaphore(%run_scoped3A : memref<!tpu.dma_semaphore, #tpu.memory_space<semaphore_mem>>) src(%arg9 : memref<128x128xf32, #tpu.memory_space<vmem>>) dst(%dma_wait3A_46 : memref<128x128xf32, #tpu.memory_space<hbm>>)
      tpu.yield
    }) : () -> ()
    %add3A_31 = arith.constant 384 : i32
    %add3A_32 = arith.addi %mul3A_0, %add3A_31 : i32
    "tpu.region"() ({
      %run_scoped3A = tpu.sem_alloc : memref<!tpu.dma_semaphore, #tpu.memory_space<semaphore_mem>>
      %dma_start3A = arith.constant 0 : i32
      %dma_start3A_41 = tpu.memref_slice %arg10[%add3A_32, %dma_start3A] : memref<10240x128xf32, #tpu.memory_space<vmem_shared>> -> memref<128x128xf32, #tpu.memory_space<vmem_shared>>
      %dma_start3A_42 = arith.constant 0 : i32
      %dma_start3A_43 = tpu.memref_slice %arg10[%add3A_32, %dma_start3A_42] : memref<10240x128xf32, #tpu.memory_space<vmem_shared>> -> memref<128x128xf32, #tpu.memory_space<vmem_shared>>
      tpu.enqueue_dma source(%dma_start3A_43 : memref<128x128xf32, #tpu.memory_space<vmem_shared>>) target(%arg9 : memref<128x128xf32, #tpu.memory_space<vmem>>) target_semaphore(%run_scoped3A : memref<!tpu.dma_semaphore, #tpu.memory_space<semaphore_mem>>)
      %dma_wait3A = arith.constant 0 : i32
      %dma_wait3A_44 = tpu.memref_slice %arg10[%add3A_32, %dma_wait3A] : memref<10240x128xf32, #tpu.memory_space<vmem_shared>> -> memref<128x128xf32, #tpu.memory_space<vmem_shared>>
      %dma_wait3A_45 = arith.constant 0 : i32
      %dma_wait3A_46 = tpu.memref_slice %arg10[%add3A_32, %dma_wait3A_45] : memref<10240x128xf32, #tpu.memory_space<vmem_shared>> -> memref<128x128xf32, #tpu.memory_space<vmem_shared>>
      tpu.wait_dma2 semaphore(%run_scoped3A : memref<!tpu.dma_semaphore, #tpu.memory_space<semaphore_mem>>) src(%dma_wait3A_46 : memref<128x128xf32, #tpu.memory_space<vmem_shared>>) dst(%arg9 : memref<128x128xf32, #tpu.memory_space<vmem>>)
      tpu.yield
    }) : () -> ()
    %mul3A_33 = arith.constant 10240 : i32
    %mul3A_34 = arith.muli %arg0, %mul3A_33 : i32
    %add3A_35 = arith.addi %mul3A_34, %add3A_32 : i32
    "tpu.region"() ({
      %run_scoped3A = tpu.sem_alloc : memref<!tpu.dma_semaphore, #tpu.memory_space<semaphore_mem>>
      %dma_start3A = arith.constant 0 : i32
      %dma_start3A_41 = tpu.memref_slice %arg6[%add3A_35, %dma_start3A] : memref<20480x128xf32, #tpu.memory_space<hbm>> -> memref<128x128xf32, #tpu.memory_space<hbm>>
      %dma_start3A_42 = arith.constant 0 : i32
      %dma_start3A_43 = tpu.memref_slice %arg6[%add3A_35, %dma_start3A_42] : memref<20480x128xf32, #tpu.memory_space<hbm>> -> memref<128x128xf32, #tpu.memory_space<hbm>>
      tpu.enqueue_dma source(%arg9 : memref<128x128xf32, #tpu.memory_space<vmem>>) target(%dma_start3A_43 : memref<128x128xf32, #tpu.memory_space<hbm>>) target_semaphore(%run_scoped3A : memref<!tpu.dma_semaphore, #tpu.memory_space<semaphore_mem>>)
      %dma_wait3A = arith.constant 0 : i32
      %dma_wait3A_44 = tpu.memref_slice %arg6[%add3A_35, %dma_wait3A] : memref<20480x128xf32, #tpu.memory_space<hbm>> -> memref<128x128xf32, #tpu.memory_space<hbm>>
      %dma_wait3A_45 = arith.constant 0 : i32
      %dma_wait3A_46 = tpu.memref_slice %arg6[%add3A_35, %dma_wait3A_45] : memref<20480x128xf32, #tpu.memory_space<hbm>> -> memref<128x128xf32, #tpu.memory_space<hbm>>
      tpu.wait_dma2 semaphore(%run_scoped3A : memref<!tpu.dma_semaphore, #tpu.memory_space<semaphore_mem>>) src(%arg9 : memref<128x128xf32, #tpu.memory_space<vmem>>) dst(%dma_wait3A_46 : memref<128x128xf32, #tpu.memory_space<hbm>>)
      tpu.yield
    }) : () -> ()
    %add3A_36 = arith.constant 512 : i32
    %add3A_37 = arith.addi %mul3A_0, %add3A_36 : i32
    "tpu.region"() ({
      %run_scoped3A = tpu.sem_alloc : memref<!tpu.dma_semaphore, #tpu.memory_space<semaphore_mem>>
      %dma_start3A = arith.constant 0 : i32
      %dma_start3A_41 = tpu.memref_slice %arg10[%add3A_37, %dma_start3A] : memref<10240x128xf32, #tpu.memory_space<vmem_shared>> -> memref<128x128xf32, #tpu.memory_space<vmem_shared>>
      %dma_start3A_42 = arith.constant 0 : i32
      %dma_start3A_43 = tpu.memref_slice %arg10[%add3A_37, %dma_start3A_42] : memref<10240x128xf32, #tpu.memory_space<vmem_shared>> -> memref<128x128xf32, #tpu.memory_space<vmem_shared>>
      tpu.enqueue_dma source(%dma_start3A_43 : memref<128x128xf32, #tpu.memory_space<vmem_shared>>) target(%arg9 : memref<128x128xf32, #tpu.memory_space<vmem>>) target_semaphore(%run_scoped3A : memref<!tpu.dma_semaphore, #tpu.memory_space<semaphore_mem>>)
      %dma_wait3A = arith.constant 0 : i32
      %dma_wait3A_44 = tpu.memref_slice %arg10[%add3A_37, %dma_wait3A] : memref<10240x128xf32, #tpu.memory_space<vmem_shared>> -> memref<128x128xf32, #tpu.memory_space<vmem_shared>>
      %dma_wait3A_45 = arith.constant 0 : i32
      %dma_wait3A_46 = tpu.memref_slice %arg10[%add3A_37, %dma_wait3A_45] : memref<10240x128xf32, #tpu.memory_space<vmem_shared>> -> memref<128x128xf32, #tpu.memory_space<vmem_shared>>
      tpu.wait_dma2 semaphore(%run_scoped3A : memref<!tpu.dma_semaphore, #tpu.memory_space<semaphore_mem>>) src(%dma_wait3A_46 : memref<128x128xf32, #tpu.memory_space<vmem_shared>>) dst(%arg9 : memref<128x128xf32, #tpu.memory_space<vmem>>)
      tpu.yield
    }) : () -> ()
    %mul3A_38 = arith.constant 10240 : i32
    %mul3A_39 = arith.muli %arg0, %mul3A_38 : i32
    %add3A_40 = arith.addi %mul3A_39, %add3A_37 : i32
    "tpu.region"() ({
      %run_scoped3A = tpu.sem_alloc : memref<!tpu.dma_semaphore, #tpu.memory_space<semaphore_mem>>
      %dma_start3A = arith.constant 0 : i32
      %dma_start3A_41 = tpu.memref_slice %arg6[%add3A_40, %dma_start3A] : memref<20480x128xf32, #tpu.memory_space<hbm>> -> memref<128x128xf32, #tpu.memory_space<hbm>>
      %dma_start3A_42 = arith.constant 0 : i32
      %dma_start3A_43 = tpu.memref_slice %arg6[%add3A_40, %dma_start3A_42] : memref<20480x128xf32, #tpu.memory_space<hbm>> -> memref<128x128xf32, #tpu.memory_space<hbm>>
      tpu.enqueue_dma source(%arg9 : memref<128x128xf32, #tpu.memory_space<vmem>>) target(%dma_start3A_43 : memref<128x128xf32, #tpu.memory_space<hbm>>) target_semaphore(%run_scoped3A : memref<!tpu.dma_semaphore, #tpu.memory_space<semaphore_mem>>)
      %dma_wait3A = arith.constant 0 : i32
      %dma_wait3A_44 = tpu.memref_slice %arg6[%add3A_40, %dma_wait3A] : memref<20480x128xf32, #tpu.memory_space<hbm>> -> memref<128x128xf32, #tpu.memory_space<hbm>>
      %dma_wait3A_45 = arith.constant 0 : i32
      %dma_wait3A_46 = tpu.memref_slice %arg6[%add3A_40, %dma_wait3A_45] : memref<20480x128xf32, #tpu.memory_space<hbm>> -> memref<128x128xf32, #tpu.memory_space<hbm>>
      tpu.wait_dma2 semaphore(%run_scoped3A : memref<!tpu.dma_semaphore, #tpu.memory_space<semaphore_mem>>) src(%arg9 : memref<128x128xf32, #tpu.memory_space<vmem>>) dst(%dma_wait3A_46 : memref<128x128xf32, #tpu.memory_space<hbm>>)
      tpu.yield
    }) : () -> ()
    return
  }
}

#map = affine_map<(d0, d1) -> (0, 0)>
#map1 = affine_map<(d0, d1) -> (0)>
module attributes {stable_mosaic.version = 14 : i64} {
  func.func @k(%arg0: i32, %arg1: i32, %arg2: memref<10000x128xf32, #tpu.memory_space<hbm>>, %arg3: memref<320000xi32, #tpu.memory_space<hbm>>, %arg4: memref<320000xi32, #tpu.memory_space<hbm>>, %arg5: memref<128x128xf32, #tpu.memory_space<hbm>>, %arg6: memref<20480x128xf32, #tpu.memory_space<hbm>>, %arg7: memref<128xi32, #tpu.memory_space<vmem>>, %arg8: memref<128xi32, #tpu.memory_space<vmem>>, %arg9: memref<128x128xf32, #tpu.memory_space<vmem>>, %arg10: memref<10240x128xf32, #tpu.memory_space<vmem_shared>>, %arg11: memref<!tpu.dma_semaphore, #tpu.memory_space<semaphore_mem>>) attributes {dimension_semantics = [#tpu.dimension_semantics<core_parallel>, #tpu.dimension_semantics<subcore_parallel>], iteration_bounds = array<i64: 2, 16>, scalar_prefetch = 0 : i64, scratch_operands = 5 : i64, tpu.core_type = #tpu.core_type<sc_vector_subcore>, window_params = [{transform_indices = #map}, {transform_indices = #map1}, {transform_indices = #map1}, {transform_indices = #map}, {transform_indices = #map}]} {
    %mul3A = arith.constant 640 : i32
    %mul3A_0 = arith.muli %arg1, %mul3A : i32
    "tpu.region"() ({
      %run_scoped3A = tpu.sem_alloc : memref<!tpu.dma_semaphore, #tpu.memory_space<semaphore_mem>>
      tpu.enqueue_dma source(%arg5 : memref<128x128xf32, #tpu.memory_space<hbm>>) target(%arg9 : memref<128x128xf32, #tpu.memory_space<vmem>>) target_semaphore(%run_scoped3A : memref<!tpu.dma_semaphore, #tpu.memory_space<semaphore_mem>>)
      tpu.wait_dma2 semaphore(%run_scoped3A : memref<!tpu.dma_semaphore, #tpu.memory_space<semaphore_mem>>) src(%arg5 : memref<128x128xf32, #tpu.memory_space<hbm>>) dst(%arg9 : memref<128x128xf32, #tpu.memory_space<vmem>>)
      tpu.yield
    }) : () -> ()
    %add3A = arith.constant 0 : i32
    %add3A_1 = arith.addi %mul3A_0, %add3A : i32
    "tpu.region"() ({
      %run_scoped3A = tpu.sem_alloc : memref<!tpu.dma_semaphore, #tpu.memory_space<semaphore_mem>>
      %dma_start3A = arith.constant 0 : i32
      %dma_start3A_41 = tpu.memref_slice %arg10[%add3A_1, %dma_start3A] : memref<10240x128xf32, #tpu.memory_space<vmem_shared>> -> memref<128x128xf32, #tpu.memory_space<vmem_shared>>
      %dma_start3A_42 = arith.constant 0 : i32
      %dma_start3A_43 = tpu.memref_slice %arg10[%add3A_1, %dma_start3A_42] : memref<10240x128xf32, #tpu.memory_space<vmem_shared>> -> memref<128x128xf32, #tpu.memory_space<vmem_shared>>
      tpu.enqueue_dma source(%arg9 : memref<128x128xf32, #tpu.memory_space<vmem>>) target(%dma_start3A_43 : memref<128x128xf32, #tpu.memory_space<vmem_shared>>) target_semaphore(%run_scoped3A : memref<!tpu.dma_semaphore, #tpu.memory_space<semaphore_mem>>)
      %dma_wait3A = arith.constant 0 : i32
      %dma_wait3A_44 = tpu.memref_slice %arg10[%add3A_1, %dma_wait3A] : memref<10240x128xf32, #tpu.memory_space<vmem_shared>> -> memref<128x128xf32, #tpu.memory_space<vmem_shared>>
      %dma_wait3A_45 = arith.constant 0 : i32
      %dma_wait3A_46 = tpu.memref_slice %arg10[%add3A_1, %dma_wait3A_45] : memref<10240x128xf32, #tpu.memory_space<vmem_shared>> -> memref<128x128xf32, #tpu.memory_space<vmem_shared>>
      tpu.wait_dma2 semaphore(%run_scoped3A : memref<!tpu.dma_semaphore, #tpu.memory_space<semaphore_mem>>) src(%arg9 : memref<128x128xf32, #tpu.memory_space<vmem>>) dst(%dma_wait3A_46 : memref<128x128xf32, #tpu.memory_space<vmem_shared>>)
      tpu.yield
    }) : () -> ()
    %add3A_2 = arith.constant 128 : i32
    %add3A_3 = arith.addi %mul3A_0, %add3A_2 : i32
    "tpu.region"() ({
      %run_scoped3A = tpu.sem_alloc : memref<!tpu.dma_semaphore, #tpu.memory_space<semaphore_mem>>
      %dma_start3A = arith.constant 0 : i32
      %dma_start3A_41 = tpu.memref_slice %arg10[%add3A_3, %dma_start3A] : memref<10240x128xf32, #tpu.memory_space<vmem_shared>> -> memref<128x128xf32, #tpu.memory_space<vmem_shared>>
      %dma_start3A_42 = arith.constant 0 : i32
      %dma_start3A_43 = tpu.memref_slice %arg10[%add3A_3, %dma_start3A_42] : memref<10240x128xf32, #tpu.memory_space<vmem_shared>> -> memref<128x128xf32, #tpu.memory_space<vmem_shared>>
      tpu.enqueue_dma source(%arg9 : memref<128x128xf32, #tpu.memory_space<vmem>>) target(%dma_start3A_43 : memref<128x128xf32, #tpu.memory_space<vmem_shared>>) target_semaphore(%run_scoped3A : memref<!tpu.dma_semaphore, #tpu.memory_space<semaphore_mem>>)
      %dma_wait3A = arith.constant 0 : i32
      %dma_wait3A_44 = tpu.memref_slice %arg10[%add3A_3, %dma_wait3A] : memref<10240x128xf32, #tpu.memory_space<vmem_shared>> -> memref<128x128xf32, #tpu.memory_space<vmem_shared>>
      %dma_wait3A_45 = arith.constant 0 : i32
      %dma_wait3A_46 = tpu.memref_slice %arg10[%add3A_3, %dma_wait3A_45] : memref<10240x128xf32, #tpu.memory_space<vmem_shared>> -> memref<128x128xf32, #tpu.memory_space<vmem_shared>>
      tpu.wait_dma2 semaphore(%run_scoped3A : memref<!tpu.dma_semaphore, #tpu.memory_space<semaphore_mem>>) src(%arg9 : memref<128x128xf32, #tpu.memory_space<vmem>>) dst(%dma_wait3A_46 : memref<128x128xf32, #tpu.memory_space<vmem_shared>>)
      tpu.yield
    }) : () -> ()
    %add3A_4 = arith.constant 256 : i32
    %add3A_5 = arith.addi %mul3A_0, %add3A_4 : i32
    "tpu.region"() ({
      %run_scoped3A = tpu.sem_alloc : memref<!tpu.dma_semaphore, #tpu.memory_space<semaphore_mem>>
      %dma_start3A = arith.constant 0 : i32
      %dma_start3A_41 = tpu.memref_slice %arg10[%add3A_5, %dma_start3A] : memref<10240x128xf32, #tpu.memory_space<vmem_shared>> -> memref<128x128xf32, #tpu.memory_space<vmem_shared>>
      %dma_start3A_42 = arith.constant 0 : i32
      %dma_start3A_43 = tpu.memref_slice %arg10[%add3A_5, %dma_start3A_42] : memref<10240x128xf32, #tpu.memory_space<vmem_shared>> -> memref<128x128xf32, #tpu.memory_space<vmem_shared>>
      tpu.enqueue_dma source(%arg9 : memref<128x128xf32, #tpu.memory_space<vmem>>) target(%dma_start3A_43 : memref<128x128xf32, #tpu.memory_space<vmem_shared>>) target_semaphore(%run_scoped3A : memref<!tpu.dma_semaphore, #tpu.memory_space<semaphore_mem>>)
      %dma_wait3A = arith.constant 0 : i32
      %dma_wait3A_44 = tpu.memref_slice %arg10[%add3A_5, %dma_wait3A] : memref<10240x128xf32, #tpu.memory_space<vmem_shared>> -> memref<128x128xf32, #tpu.memory_space<vmem_shared>>
      %dma_wait3A_45 = arith.constant 0 : i32
      %dma_wait3A_46 = tpu.memref_slice %arg10[%add3A_5, %dma_wait3A_45] : memref<10240x128xf32, #tpu.memory_space<vmem_shared>> -> memref<128x128xf32, #tpu.memory_space<vmem_shared>>
      tpu.wait_dma2 semaphore(%run_scoped3A : memref<!tpu.dma_semaphore, #tpu.memory_space<semaphore_mem>>) src(%arg9 : memref<128x128xf32, #tpu.memory_space<vmem>>) dst(%dma_wait3A_46 : memref<128x128xf32, #tpu.memory_space<vmem_shared>>)
      tpu.yield
    }) : () -> ()
    %add3A_6 = arith.constant 384 : i32
    %add3A_7 = arith.addi %mul3A_0, %add3A_6 : i32
    "tpu.region"() ({
      %run_scoped3A = tpu.sem_alloc : memref<!tpu.dma_semaphore, #tpu.memory_space<semaphore_mem>>
      %dma_start3A = arith.constant 0 : i32
      %dma_start3A_41 = tpu.memref_slice %arg10[%add3A_7, %dma_start3A] : memref<10240x128xf32, #tpu.memory_space<vmem_shared>> -> memref<128x128xf32, #tpu.memory_space<vmem_shared>>
      %dma_start3A_42 = arith.constant 0 : i32
      %dma_start3A_43 = tpu.memref_slice %arg10[%add3A_7, %dma_start3A_42] : memref<10240x128xf32, #tpu.memory_space<vmem_shared>> -> memref<128x128xf32, #tpu.memory_space<vmem_shared>>
      tpu.enqueue_dma source(%arg9 : memref<128x128xf32, #tpu.memory_space<vmem>>) target(%dma_start3A_43 : memref<128x128xf32, #tpu.memory_space<vmem_shared>>) target_semaphore(%run_scoped3A : memref<!tpu.dma_semaphore, #tpu.memory_space<semaphore_mem>>)
      %dma_wait3A = arith.constant 0 : i32
      %dma_wait3A_44 = tpu.memref_slice %arg10[%add3A_7, %dma_wait3A] : memref<10240x128xf32, #tpu.memory_space<vmem_shared>> -> memref<128x128xf32, #tpu.memory_space<vmem_shared>>
      %dma_wait3A_45 = arith.constant 0 : i32
      %dma_wait3A_46 = tpu.memref_slice %arg10[%add3A_7, %dma_wait3A_45] : memref<10240x128xf32, #tpu.memory_space<vmem_shared>> -> memref<128x128xf32, #tpu.memory_space<vmem_shared>>
      tpu.wait_dma2 semaphore(%run_scoped3A : memref<!tpu.dma_semaphore, #tpu.memory_space<semaphore_mem>>) src(%arg9 : memref<128x128xf32, #tpu.memory_space<vmem>>) dst(%dma_wait3A_46 : memref<128x128xf32, #tpu.memory_space<vmem_shared>>)
      tpu.yield
    }) : () -> ()
    %add3A_8 = arith.constant 512 : i32
    %add3A_9 = arith.addi %mul3A_0, %add3A_8 : i32
    "tpu.region"() ({
      %run_scoped3A = tpu.sem_alloc : memref<!tpu.dma_semaphore, #tpu.memory_space<semaphore_mem>>
      %dma_start3A = arith.constant 0 : i32
      %dma_start3A_41 = tpu.memref_slice %arg10[%add3A_9, %dma_start3A] : memref<10240x128xf32, #tpu.memory_space<vmem_shared>> -> memref<128x128xf32, #tpu.memory_space<vmem_shared>>
      %dma_start3A_42 = arith.constant 0 : i32
      %dma_start3A_43 = tpu.memref_slice %arg10[%add3A_9, %dma_start3A_42] : memref<10240x128xf32, #tpu.memory_space<vmem_shared>> -> memref<128x128xf32, #tpu.memory_space<vmem_shared>>
      tpu.enqueue_dma source(%arg9 : memref<128x128xf32, #tpu.memory_space<vmem>>) target(%dma_start3A_43 : memref<128x128xf32, #tpu.memory_space<vmem_shared>>) target_semaphore(%run_scoped3A : memref<!tpu.dma_semaphore, #tpu.memory_space<semaphore_mem>>)
      %dma_wait3A = arith.constant 0 : i32
      %dma_wait3A_44 = tpu.memref_slice %arg10[%add3A_9, %dma_wait3A] : memref<10240x128xf32, #tpu.memory_space<vmem_shared>> -> memref<128x128xf32, #tpu.memory_space<vmem_shared>>
      %dma_wait3A_45 = arith.constant 0 : i32
      %dma_wait3A_46 = tpu.memref_slice %arg10[%add3A_9, %dma_wait3A_45] : memref<10240x128xf32, #tpu.memory_space<vmem_shared>> -> memref<128x128xf32, #tpu.memory_space<vmem_shared>>
      tpu.wait_dma2 semaphore(%run_scoped3A : memref<!tpu.dma_semaphore, #tpu.memory_space<semaphore_mem>>) src(%arg9 : memref<128x128xf32, #tpu.memory_space<vmem>>) dst(%dma_wait3A_46 : memref<128x128xf32, #tpu.memory_space<vmem_shared>>)
      tpu.yield
    }) : () -> ()
    %barrier3A = arith.constant 0 : index
    tpu.barrier barrier_id(%barrier3A)
    %scan3A = arith.constant 0 : i32
    %scan3A_10 = arith.constant 0 : i32
    %scan3A_11 = arith.constant 79 : i32
    %scan3A_12 = arith.addi %scan3A_10, %scan3A_11 : i32
    %scan3A_13 = arith.constant 1 : i32
    scf.for %scan3A_41 = %scan3A_10 to %scan3A_12 step %scan3A_13  : i32 {
      %mul3A_42 = arith.constant 16 : i32
      %mul3A_43 = arith.muli %mul3A_42, %scan3A_41 : i32
      %add3A_44 = arith.addi %arg1, %mul3A_43 : i32
      %lt3A = arith.constant 1250 : i32
      %lt3A_45 = arith.cmpi slt, %add3A_44, %lt3A : i32
      %convert_element_type3A = arith.extui %lt3A_45 : i1 to i32
      %cond3A = arith.constant 0 : i32
      %cond3A_46 = arith.cmpi ne, %convert_element_type3A, %cond3A : i32
      scf.if %cond3A_46 {
        %mul3A_47 = arith.constant 2 : i32
        %mul3A_48 = arith.muli %mul3A_47, %add3A_44 : i32
        %add3A_49 = arith.addi %arg0, %mul3A_48 : i32
        %mul3A_50 = arith.constant 128 : i32
        %mul3A_51 = arith.muli %add3A_49, %mul3A_50 : i32
        "tpu.region"() ({
          %run_scoped3A = tpu.sem_alloc : memref<!tpu.dma_semaphore, #tpu.memory_space<semaphore_mem>>
          %dma_start3A_56 = tpu.memref_slice %arg3[%mul3A_51] : memref<320000xi32, #tpu.memory_space<hbm>> -> memref<128xi32, #tpu.memory_space<hbm>>
          %dma_start3A_57 = tpu.memref_slice %arg3[%mul3A_51] : memref<320000xi32, #tpu.memory_space<hbm>> -> memref<128xi32, #tpu.memory_space<hbm>>
          tpu.enqueue_dma source(%dma_start3A_57 : memref<128xi32, #tpu.memory_space<hbm>>) target(%arg7 : memref<128xi32, #tpu.memory_space<vmem>>) target_semaphore(%run_scoped3A : memref<!tpu.dma_semaphore, #tpu.memory_space<semaphore_mem>>)
          %dma_wait3A_58 = tpu.memref_slice %arg3[%mul3A_51] : memref<320000xi32, #tpu.memory_space<hbm>> -> memref<128xi32, #tpu.memory_space<hbm>>
          %dma_wait3A_59 = tpu.memref_slice %arg3[%mul3A_51] : memref<320000xi32, #tpu.memory_space<hbm>> -> memref<128xi32, #tpu.memory_space<hbm>>
          tpu.wait_dma2 semaphore(%run_scoped3A : memref<!tpu.dma_semaphore, #tpu.memory_space<semaphore_mem>>) src(%dma_wait3A_59 : memref<128xi32, #tpu.memory_space<hbm>>) dst(%arg7 : memref<128xi32, #tpu.memory_space<vmem>>)
          tpu.yield
        }) : () -> ()
        "tpu.region"() ({
          %run_scoped3A = tpu.sem_alloc : memref<!tpu.dma_semaphore, #tpu.memory_space<semaphore_mem>>
          %dma_start3A_56 = tpu.memref_slice %arg4[%mul3A_51] : memref<320000xi32, #tpu.memory_space<hbm>> -> memref<128xi32, #tpu.memory_space<hbm>>
          %dma_start3A_57 = tpu.memref_slice %arg4[%mul3A_51] : memref<320000xi32, #tpu.memory_space<hbm>> -> memref<128xi32, #tpu.memory_space<hbm>>
          tpu.enqueue_dma source(%dma_start3A_57 : memref<128xi32, #tpu.memory_space<hbm>>) target(%arg8 : memref<128xi32, #tpu.memory_space<vmem>>) target_semaphore(%run_scoped3A : memref<!tpu.dma_semaphore, #tpu.memory_space<semaphore_mem>>)
          %dma_wait3A_58 = tpu.memref_slice %arg4[%mul3A_51] : memref<320000xi32, #tpu.memory_space<hbm>> -> memref<128xi32, #tpu.memory_space<hbm>>
          %dma_wait3A_59 = tpu.memref_slice %arg4[%mul3A_51] : memref<320000xi32, #tpu.memory_space<hbm>> -> memref<128xi32, #tpu.memory_space<hbm>>
          tpu.wait_dma2 semaphore(%run_scoped3A : memref<!tpu.dma_semaphore, #tpu.memory_space<semaphore_mem>>) src(%dma_wait3A_59 : memref<128xi32, #tpu.memory_space<hbm>>) dst(%arg8 : memref<128xi32, #tpu.memory_space<vmem>>)
          tpu.yield
        }) : () -> ()
        %dma_start3A = arith.constant 0 : i32
        %dma_start3A_52 = arith.constant 0 : i32
        %dma_start3A_53 = tpu.memref_slice %arg2[%dma_start3A, %dma_start3A_52] : memref<10000x128xf32, #tpu.memory_space<hbm>> -> memref<10000x128xf32, #tpu.memory_space<hbm>>
        tpu.enqueue_indirect_dma source(%dma_start3A_53 : memref<10000x128xf32, #tpu.memory_space<hbm>>) target(%arg9 : memref<128x128xf32, #tpu.memory_space<vmem>>) offsets(%arg7 : memref<128xi32, #tpu.memory_space<vmem>>) semaphore(%arg11 : memref<!tpu.dma_semaphore, #tpu.memory_space<semaphore_mem>>)
        %dma_wait3A = arith.constant 0 : i32
        %dma_wait3A_54 = arith.constant 0 : i32
        %dma_wait3A_55 = tpu.memref_slice %arg2[%dma_wait3A, %dma_wait3A_54] : memref<10000x128xf32, #tpu.memory_space<hbm>> -> memref<10000x128xf32, #tpu.memory_space<hbm>>
        tpu.wait_indirect_dma semaphore(%arg11 : memref<!tpu.dma_semaphore, #tpu.memory_space<semaphore_mem>>) src(%dma_wait3A_55 : memref<10000x128xf32, #tpu.memory_space<hbm>>) dst(%arg9 : memref<128x128xf32, #tpu.memory_space<vmem>>)
        "tpu.region"() ({
          %run_scoped3A = tpu.sem_alloc : memref<!tpu.dma_semaphore, #tpu.memory_space<semaphore_mem>>
          %dma_start3A_56 = arith.constant 0 : i32
          %dma_start3A_57 = arith.constant 0 : i32
          %dma_start3A_58 = tpu.memref_slice %arg10[%dma_start3A_56, %dma_start3A_57] : memref<10240x128xf32, #tpu.memory_space<vmem_shared>> -> memref<10240x128xf32, #tpu.memory_space<vmem_shared>>
          tpu.enqueue_indirect_dma source(%arg9 : memref<128x128xf32, #tpu.memory_space<vmem>>) target(%dma_start3A_58 : memref<10240x128xf32, #tpu.memory_space<vmem_shared>>) offsets(%arg8 : memref<128xi32, #tpu.memory_space<vmem>>) semaphore(%run_scoped3A : memref<!tpu.dma_semaphore, #tpu.memory_space<semaphore_mem>>) {add = true}
          %dma_wait3A_59 = arith.constant 0 : i32
          %dma_wait3A_60 = arith.constant 0 : i32
          %dma_wait3A_61 = tpu.memref_slice %arg10[%dma_wait3A_59, %dma_wait3A_60] : memref<10240x128xf32, #tpu.memory_space<vmem_shared>> -> memref<10240x128xf32, #tpu.memory_space<vmem_shared>>
          tpu.wait_indirect_dma semaphore(%run_scoped3A : memref<!tpu.dma_semaphore, #tpu.memory_space<semaphore_mem>>) src(%arg9 : memref<128x128xf32, #tpu.memory_space<vmem>>) dst(%dma_wait3A_61 : memref<10240x128xf32, #tpu.memory_space<vmem_shared>>)
          tpu.yield
        }) : () -> ()
      } else {
      }
    }
    %scan3A_14 = arith.constant 79 : i32
    %barrier3A_15 = arith.constant 0 : index
    tpu.barrier barrier_id(%barrier3A_15)
    %add3A_16 = arith.constant 0 : i32
    %add3A_17 = arith.addi %mul3A_0, %add3A_16 : i32
    "tpu.region"() ({
      %run_scoped3A = tpu.sem_alloc : memref<!tpu.dma_semaphore, #tpu.memory_space<semaphore_mem>>
      %dma_start3A = arith.constant 0 : i32
      %dma_start3A_41 = tpu.memref_slice %arg10[%add3A_17, %dma_start3A] : memref<10240x128xf32, #tpu.memory_space<vmem_shared>> -> memref<128x128xf32, #tpu.memory_space<vmem_shared>>
      %dma_start3A_42 = arith.constant 0 : i32
      %dma_start3A_43 = tpu.memref_slice %arg10[%add3A_17, %dma_start3A_42] : memref<10240x128xf32, #tpu.memory_space<vmem_shared>> -> memref<128x128xf32, #tpu.memory_space<vmem_shared>>
      tpu.enqueue_dma source(%dma_start3A_43 : memref<128x128xf32, #tpu.memory_space<vmem_shared>>) target(%arg9 : memref<128x128xf32, #tpu.memory_space<vmem>>) target_semaphore(%run_scoped3A : memref<!tpu.dma_semaphore, #tpu.memory_space<semaphore_mem>>)
      %dma_wait3A = arith.constant 0 : i32
      %dma_wait3A_44 = tpu.memref_slice %arg10[%add3A_17, %dma_wait3A] : memref<10240x128xf32, #tpu.memory_space<vmem_shared>> -> memref<128x128xf32, #tpu.memory_space<vmem_shared>>
      %dma_wait3A_45 = arith.constant 0 : i32
      %dma_wait3A_46 = tpu.memref_slice %arg10[%add3A_17, %dma_wait3A_45] : memref<10240x128xf32, #tpu.memory_space<vmem_shared>> -> memref<128x128xf32, #tpu.memory_space<vmem_shared>>
      tpu.wait_dma2 semaphore(%run_scoped3A : memref<!tpu.dma_semaphore, #tpu.memory_space<semaphore_mem>>) src(%dma_wait3A_46 : memref<128x128xf32, #tpu.memory_space<vmem_shared>>) dst(%arg9 : memref<128x128xf32, #tpu.memory_space<vmem>>)
      tpu.yield
    }) : () -> ()
    %mul3A_18 = arith.constant 10240 : i32
    %mul3A_19 = arith.muli %arg0, %mul3A_18 : i32
    %add3A_20 = arith.addi %mul3A_19, %add3A_17 : i32
    "tpu.region"() ({
      %run_scoped3A = tpu.sem_alloc : memref<!tpu.dma_semaphore, #tpu.memory_space<semaphore_mem>>
      %dma_start3A = arith.constant 0 : i32
      %dma_start3A_41 = tpu.memref_slice %arg6[%add3A_20, %dma_start3A] : memref<20480x128xf32, #tpu.memory_space<hbm>> -> memref<128x128xf32, #tpu.memory_space<hbm>>
      %dma_start3A_42 = arith.constant 0 : i32
      %dma_start3A_43 = tpu.memref_slice %arg6[%add3A_20, %dma_start3A_42] : memref<20480x128xf32, #tpu.memory_space<hbm>> -> memref<128x128xf32, #tpu.memory_space<hbm>>
      tpu.enqueue_dma source(%arg9 : memref<128x128xf32, #tpu.memory_space<vmem>>) target(%dma_start3A_43 : memref<128x128xf32, #tpu.memory_space<hbm>>) target_semaphore(%run_scoped3A : memref<!tpu.dma_semaphore, #tpu.memory_space<semaphore_mem>>)
      %dma_wait3A = arith.constant 0 : i32
      %dma_wait3A_44 = tpu.memref_slice %arg6[%add3A_20, %dma_wait3A] : memref<20480x128xf32, #tpu.memory_space<hbm>> -> memref<128x128xf32, #tpu.memory_space<hbm>>
      %dma_wait3A_45 = arith.constant 0 : i32
      %dma_wait3A_46 = tpu.memref_slice %arg6[%add3A_20, %dma_wait3A_45] : memref<20480x128xf32, #tpu.memory_space<hbm>> -> memref<128x128xf32, #tpu.memory_space<hbm>>
      tpu.wait_dma2 semaphore(%run_scoped3A : memref<!tpu.dma_semaphore, #tpu.memory_space<semaphore_mem>>) src(%arg9 : memref<128x128xf32, #tpu.memory_space<vmem>>) dst(%dma_wait3A_46 : memref<128x128xf32, #tpu.memory_space<hbm>>)
      tpu.yield
    }) : () -> ()
    %add3A_21 = arith.constant 128 : i32
    %add3A_22 = arith.addi %mul3A_0, %add3A_21 : i32
    "tpu.region"() ({
      %run_scoped3A = tpu.sem_alloc : memref<!tpu.dma_semaphore, #tpu.memory_space<semaphore_mem>>
      %dma_start3A = arith.constant 0 : i32
      %dma_start3A_41 = tpu.memref_slice %arg10[%add3A_22, %dma_start3A] : memref<10240x128xf32, #tpu.memory_space<vmem_shared>> -> memref<128x128xf32, #tpu.memory_space<vmem_shared>>
      %dma_start3A_42 = arith.constant 0 : i32
      %dma_start3A_43 = tpu.memref_slice %arg10[%add3A_22, %dma_start3A_42] : memref<10240x128xf32, #tpu.memory_space<vmem_shared>> -> memref<128x128xf32, #tpu.memory_space<vmem_shared>>
      tpu.enqueue_dma source(%dma_start3A_43 : memref<128x128xf32, #tpu.memory_space<vmem_shared>>) target(%arg9 : memref<128x128xf32, #tpu.memory_space<vmem>>) target_semaphore(%run_scoped3A : memref<!tpu.dma_semaphore, #tpu.memory_space<semaphore_mem>>)
      %dma_wait3A = arith.constant 0 : i32
      %dma_wait3A_44 = tpu.memref_slice %arg10[%add3A_22, %dma_wait3A] : memref<10240x128xf32, #tpu.memory_space<vmem_shared>> -> memref<128x128xf32, #tpu.memory_space<vmem_shared>>
      %dma_wait3A_45 = arith.constant 0 : i32
      %dma_wait3A_46 = tpu.memref_slice %arg10[%add3A_22, %dma_wait3A_45] : memref<10240x128xf32, #tpu.memory_space<vmem_shared>> -> memref<128x128xf32, #tpu.memory_space<vmem_shared>>
      tpu.wait_dma2 semaphore(%run_scoped3A : memref<!tpu.dma_semaphore, #tpu.memory_space<semaphore_mem>>) src(%dma_wait3A_46 : memref<128x128xf32, #tpu.memory_space<vmem_shared>>) dst(%arg9 : memref<128x128xf32, #tpu.memory_space<vmem>>)
      tpu.yield
    }) : () -> ()
    %mul3A_23 = arith.constant 10240 : i32
    %mul3A_24 = arith.muli %arg0, %mul3A_23 : i32
    %add3A_25 = arith.addi %mul3A_24, %add3A_22 : i32
    "tpu.region"() ({
      %run_scoped3A = tpu.sem_alloc : memref<!tpu.dma_semaphore, #tpu.memory_space<semaphore_mem>>
      %dma_start3A = arith.constant 0 : i32
      %dma_start3A_41 = tpu.memref_slice %arg6[%add3A_25, %dma_start3A] : memref<20480x128xf32, #tpu.memory_space<hbm>> -> memref<128x128xf32, #tpu.memory_space<hbm>>
      %dma_start3A_42 = arith.constant 0 : i32
      %dma_start3A_43 = tpu.memref_slice %arg6[%add3A_25, %dma_start3A_42] : memref<20480x128xf32, #tpu.memory_space<hbm>> -> memref<128x128xf32, #tpu.memory_space<hbm>>
      tpu.enqueue_dma source(%arg9 : memref<128x128xf32, #tpu.memory_space<vmem>>) target(%dma_start3A_43 : memref<128x128xf32, #tpu.memory_space<hbm>>) target_semaphore(%run_scoped3A : memref<!tpu.dma_semaphore, #tpu.memory_space<semaphore_mem>>)
      %dma_wait3A = arith.constant 0 : i32
      %dma_wait3A_44 = tpu.memref_slice %arg6[%add3A_25, %dma_wait3A] : memref<20480x128xf32, #tpu.memory_space<hbm>> -> memref<128x128xf32, #tpu.memory_space<hbm>>
      %dma_wait3A_45 = arith.constant 0 : i32
      %dma_wait3A_46 = tpu.memref_slice %arg6[%add3A_25, %dma_wait3A_45] : memref<20480x128xf32, #tpu.memory_space<hbm>> -> memref<128x128xf32, #tpu.memory_space<hbm>>
      tpu.wait_dma2 semaphore(%run_scoped3A : memref<!tpu.dma_semaphore, #tpu.memory_space<semaphore_mem>>) src(%arg9 : memref<128x128xf32, #tpu.memory_space<vmem>>) dst(%dma_wait3A_46 : memref<128x128xf32, #tpu.memory_space<hbm>>)
      tpu.yield
    }) : () -> ()
    %add3A_26 = arith.constant 256 : i32
    %add3A_27 = arith.addi %mul3A_0, %add3A_26 : i32
    "tpu.region"() ({
      %run_scoped3A = tpu.sem_alloc : memref<!tpu.dma_semaphore, #tpu.memory_space<semaphore_mem>>
      %dma_start3A = arith.constant 0 : i32
      %dma_start3A_41 = tpu.memref_slice %arg10[%add3A_27, %dma_start3A] : memref<10240x128xf32, #tpu.memory_space<vmem_shared>> -> memref<128x128xf32, #tpu.memory_space<vmem_shared>>
      %dma_start3A_42 = arith.constant 0 : i32
      %dma_start3A_43 = tpu.memref_slice %arg10[%add3A_27, %dma_start3A_42] : memref<10240x128xf32, #tpu.memory_space<vmem_shared>> -> memref<128x128xf32, #tpu.memory_space<vmem_shared>>
      tpu.enqueue_dma source(%dma_start3A_43 : memref<128x128xf32, #tpu.memory_space<vmem_shared>>) target(%arg9 : memref<128x128xf32, #tpu.memory_space<vmem>>) target_semaphore(%run_scoped3A : memref<!tpu.dma_semaphore, #tpu.memory_space<semaphore_mem>>)
      %dma_wait3A = arith.constant 0 : i32
      %dma_wait3A_44 = tpu.memref_slice %arg10[%add3A_27, %dma_wait3A] : memref<10240x128xf32, #tpu.memory_space<vmem_shared>> -> memref<128x128xf32, #tpu.memory_space<vmem_shared>>
      %dma_wait3A_45 = arith.constant 0 : i32
      %dma_wait3A_46 = tpu.memref_slice %arg10[%add3A_27, %dma_wait3A_45] : memref<10240x128xf32, #tpu.memory_space<vmem_shared>> -> memref<128x128xf32, #tpu.memory_space<vmem_shared>>
      tpu.wait_dma2 semaphore(%run_scoped3A : memref<!tpu.dma_semaphore, #tpu.memory_space<semaphore_mem>>) src(%dma_wait3A_46 : memref<128x128xf32, #tpu.memory_space<vmem_shared>>) dst(%arg9 : memref<128x128xf32, #tpu.memory_space<vmem>>)
      tpu.yield
    }) : () -> ()
    %mul3A_28 = arith.constant 10240 : i32
    %mul3A_29 = arith.muli %arg0, %mul3A_28 : i32
    %add3A_30 = arith.addi %mul3A_29, %add3A_27 : i32
    "tpu.region"() ({
      %run_scoped3A = tpu.sem_alloc : memref<!tpu.dma_semaphore, #tpu.memory_space<semaphore_mem>>
      %dma_start3A = arith.constant 0 : i32
      %dma_start3A_41 = tpu.memref_slice %arg6[%add3A_30, %dma_start3A] : memref<20480x128xf32, #tpu.memory_space<hbm>> -> memref<128x128xf32, #tpu.memory_space<hbm>>
      %dma_start3A_42 = arith.constant 0 : i32
      %dma_start3A_43 = tpu.memref_slice %arg6[%add3A_30, %dma_start3A_42] : memref<20480x128xf32, #tpu.memory_space<hbm>> -> memref<128x128xf32, #tpu.memory_space<hbm>>
      tpu.enqueue_dma source(%arg9 : memref<128x128xf32, #tpu.memory_space<vmem>>) target(%dma_start3A_43 : memref<128x128xf32, #tpu.memory_space<hbm>>) target_semaphore(%run_scoped3A : memref<!tpu.dma_semaphore, #tpu.memory_space<semaphore_mem>>)
      %dma_wait3A = arith.constant 0 : i32
      %dma_wait3A_44 = tpu.memref_slice %arg6[%add3A_30, %dma_wait3A] : memref<20480x128xf32, #tpu.memory_space<hbm>> -> memref<128x128xf32, #tpu.memory_space<hbm>>
      %dma_wait3A_45 = arith.constant 0 : i32
      %dma_wait3A_46 = tpu.memref_slice %arg6[%add3A_30, %dma_wait3A_45] : memref<20480x128xf32, #tpu.memory_space<hbm>> -> memref<128x128xf32, #tpu.memory_space<hbm>>
      tpu.wait_dma2 semaphore(%run_scoped3A : memref<!tpu.dma_semaphore, #tpu.memory_space<semaphore_mem>>) src(%arg9 : memref<128x128xf32, #tpu.memory_space<vmem>>) dst(%dma_wait3A_46 : memref<128x128xf32, #tpu.memory_space<hbm>>)
      tpu.yield
    }) : () -> ()
    %add3A_31 = arith.constant 384 : i32
    %add3A_32 = arith.addi %mul3A_0, %add3A_31 : i32
    "tpu.region"() ({
      %run_scoped3A = tpu.sem_alloc : memref<!tpu.dma_semaphore, #tpu.memory_space<semaphore_mem>>
      %dma_start3A = arith.constant 0 : i32
      %dma_start3A_41 = tpu.memref_slice %arg10[%add3A_32, %dma_start3A] : memref<10240x128xf32, #tpu.memory_space<vmem_shared>> -> memref<128x128xf32, #tpu.memory_space<vmem_shared>>
      %dma_start3A_42 = arith.constant 0 : i32
      %dma_start3A_43 = tpu.memref_slice %arg10[%add3A_32, %dma_start3A_42] : memref<10240x128xf32, #tpu.memory_space<vmem_shared>> -> memref<128x128xf32, #tpu.memory_space<vmem_shared>>
      tpu.enqueue_dma source(%dma_start3A_43 : memref<128x128xf32, #tpu.memory_space<vmem_shared>>) target(%arg9 : memref<128x128xf32, #tpu.memory_space<vmem>>) target_semaphore(%run_scoped3A : memref<!tpu.dma_semaphore, #tpu.memory_space<semaphore_mem>>)
      %dma_wait3A = arith.constant 0 : i32
      %dma_wait3A_44 = tpu.memref_slice %arg10[%add3A_32, %dma_wait3A] : memref<10240x128xf32, #tpu.memory_space<vmem_shared>> -> memref<128x128xf32, #tpu.memory_space<vmem_shared>>
      %dma_wait3A_45 = arith.constant 0 : i32
      %dma_wait3A_46 = tpu.memref_slice %arg10[%add3A_32, %dma_wait3A_45] : memref<10240x128xf32, #tpu.memory_space<vmem_shared>> -> memref<128x128xf32, #tpu.memory_space<vmem_shared>>
      tpu.wait_dma2 semaphore(%run_scoped3A : memref<!tpu.dma_semaphore, #tpu.memory_space<semaphore_mem>>) src(%dma_wait3A_46 : memref<128x128xf32, #tpu.memory_space<vmem_shared>>) dst(%arg9 : memref<128x128xf32, #tpu.memory_space<vmem>>)
      tpu.yield
    }) : () -> ()
    %mul3A_33 = arith.constant 10240 : i32
    %mul3A_34 = arith.muli %arg0, %mul3A_33 : i32
    %add3A_35 = arith.addi %mul3A_34, %add3A_32 : i32
    "tpu.region"() ({
      %run_scoped3A = tpu.sem_alloc : memref<!tpu.dma_semaphore, #tpu.memory_space<semaphore_mem>>
      %dma_start3A = arith.constant 0 : i32
      %dma_start3A_41 = tpu.memref_slice %arg6[%add3A_35, %dma_start3A] : memref<20480x128xf32, #tpu.memory_space<hbm>> -> memref<128x128xf32, #tpu.memory_space<hbm>>
      %dma_start3A_42 = arith.constant 0 : i32
      %dma_start3A_43 = tpu.memref_slice %arg6[%add3A_35, %dma_start3A_42] : memref<20480x128xf32, #tpu.memory_space<hbm>> -> memref<128x128xf32, #tpu.memory_space<hbm>>
      tpu.enqueue_dma source(%arg9 : memref<128x128xf32, #tpu.memory_space<vmem>>) target(%dma_start3A_43 : memref<128x128xf32, #tpu.memory_space<hbm>>) target_semaphore(%run_scoped3A : memref<!tpu.dma_semaphore, #tpu.memory_space<semaphore_mem>>)
      %dma_wait3A = arith.constant 0 : i32
      %dma_wait3A_44 = tpu.memref_slice %arg6[%add3A_35, %dma_wait3A] : memref<20480x128xf32, #tpu.memory_space<hbm>> -> memref<128x128xf32, #tpu.memory_space<hbm>>
      %dma_wait3A_45 = arith.constant 0 : i32
      %dma_wait3A_46 = tpu.memref_slice %arg6[%add3A_35, %dma_wait3A_45] : memref<20480x128xf32, #tpu.memory_space<hbm>> -> memref<128x128xf32, #tpu.memory_space<hbm>>
      tpu.wait_dma2 semaphore(%run_scoped3A : memref<!tpu.dma_semaphore, #tpu.memory_space<semaphore_mem>>) src(%arg9 : memref<128x128xf32, #tpu.memory_space<vmem>>) dst(%dma_wait3A_46 : memref<128x128xf32, #tpu.memory_space<hbm>>)
      tpu.yield
    }) : () -> ()
    %add3A_36 = arith.constant 512 : i32
    %add3A_37 = arith.addi %mul3A_0, %add3A_36 : i32
    "tpu.region"() ({
      %run_scoped3A = tpu.sem_alloc : memref<!tpu.dma_semaphore, #tpu.memory_space<semaphore_mem>>
      %dma_start3A = arith.constant 0 : i32
      %dma_start3A_41 = tpu.memref_slice %arg10[%add3A_37, %dma_start3A] : memref<10240x128xf32, #tpu.memory_space<vmem_shared>> -> memref<128x128xf32, #tpu.memory_space<vmem_shared>>
      %dma_start3A_42 = arith.constant 0 : i32
      %dma_start3A_43 = tpu.memref_slice %arg10[%add3A_37, %dma_start3A_42] : memref<10240x128xf32, #tpu.memory_space<vmem_shared>> -> memref<128x128xf32, #tpu.memory_space<vmem_shared>>
      tpu.enqueue_dma source(%dma_start3A_43 : memref<128x128xf32, #tpu.memory_space<vmem_shared>>) target(%arg9 : memref<128x128xf32, #tpu.memory_space<vmem>>) target_semaphore(%run_scoped3A : memref<!tpu.dma_semaphore, #tpu.memory_space<semaphore_mem>>)
      %dma_wait3A = arith.constant 0 : i32
      %dma_wait3A_44 = tpu.memref_slice %arg10[%add3A_37, %dma_wait3A] : memref<10240x128xf32, #tpu.memory_space<vmem_shared>> -> memref<128x128xf32, #tpu.memory_space<vmem_shared>>
      %dma_wait3A_45 = arith.constant 0 : i32
      %dma_wait3A_46 = tpu.memref_slice %arg10[%add3A_37, %dma_wait3A_45] : memref<10240x128xf32, #tpu.memory_space<vmem_shared>> -> memref<128x128xf32, #tpu.memory_space<vmem_shared>>
      tpu.wait_dma2 semaphore(%run_scoped3A : memref<!tpu.dma_semaphore, #tpu.memory_space<semaphore_mem>>) src(%dma_wait3A_46 : memref<128x128xf32, #tpu.memory_space<vmem_shared>>) dst(%arg9 : memref<128x128xf32, #tpu.memory_space<vmem>>)
      tpu.yield
    }) : () -> ()
    %mul3A_38 = arith.constant 10240 : i32
    %mul3A_39 = arith.muli %arg0, %mul3A_38 : i32
    %add3A_40 = arith.addi %mul3A_39, %add3A_37 : i32
    "tpu.region"() ({
      %run_scoped3A = tpu.sem_alloc : memref<!tpu.dma_semaphore, #tpu.memory_space<semaphore_mem>>
      %dma_start3A = arith.constant 0 : i32
      %dma_start3A_41 = tpu.memref_slice %arg6[%add3A_40, %dma_start3A] : memref<20480x128xf32, #tpu.memory_space<hbm>> -> memref<128x128xf32, #tpu.memory_space<hbm>>
      %dma_start3A_42 = arith.constant 0 : i32
      %dma_start3A_43 = tpu.memref_slice %arg6[%add3A_40, %dma_start3A_42] : memref<20480x128xf32, #tpu.memory_space<hbm>> -> memref<128x128xf32, #tpu.memory_space<hbm>>
      tpu.enqueue_dma source(%arg9 : memref<128x128xf32, #tpu.memory_space<vmem>>) target(%dma_start3A_43 : memref<128x128xf32, #tpu.memory_space<hbm>>) target_semaphore(%run_scoped3A : memref<!tpu.dma_semaphore, #tpu.memory_space<semaphore_mem>>)
      %dma_wait3A = arith.constant 0 : i32
      %dma_wait3A_44 = tpu.memref_slice %arg6[%add3A_40, %dma_wait3A] : memref<20480x128xf32, #tpu.memory_space<hbm>> -> memref<128x128xf32, #tpu.memory_space<hbm>>
      %dma_wait3A_45 = arith.constant 0 : i32
      %dma_wait3A_46 = tpu.memref_slice %arg6[%add3A_40, %dma_wait3A_45] : memref<20480x128xf32, #tpu.memory_space<hbm>> -> memref<128x128xf32, #tpu.memory_space<hbm>>
      tpu.wait_dma2 semaphore(%run_scoped3A : memref<!tpu.dma_semaphore, #tpu.memory_space<semaphore_mem>>) src(%arg9 : memref<128x128xf32, #tpu.memory_space<vmem>>) dst(%dma_wait3A_46 : memref<128x128xf32, #tpu.memory_space<hbm>>)
      tpu.yield
    }) : () -> ()
    return
  }
}

#map = affine_map<(d0, d1) -> (0)>
#map1 = affine_map<(d0, d1) -> (0, 0)>
module attributes {stable_mosaic.version = 14 : i64} {
  func.func @k(%arg0: i32, %arg1: i32, %arg2: memref<320000xi32, #tpu.memory_space<hbm>>, %arg3: memref<128x128xf32, #tpu.memory_space<hbm>>, %arg4: memref<128x128xf32, #tpu.memory_space<hbm>>, %arg5: memref<20480x128xf32, #tpu.memory_space<hbm>>, %arg6: memref<128xi32, #tpu.memory_space<vmem>>, %arg7: memref<128x128xf32, #tpu.memory_space<vmem>>, %arg8: memref<128x128xf32, #tpu.memory_space<vmem>>, %arg9: memref<10240x128xf32, #tpu.memory_space<vmem_shared>>) attributes {dimension_semantics = [#tpu.dimension_semantics<core_parallel>, #tpu.dimension_semantics<subcore_parallel>], iteration_bounds = array<i64: 2, 16>, scalar_prefetch = 0 : i64, scratch_operands = 4 : i64, tpu.core_type = #tpu.core_type<sc_vector_subcore>, window_params = [{transform_indices = #map}, {transform_indices = #map1}, {transform_indices = #map1}, {transform_indices = #map1}]} {
    %mul3A = arith.constant 640 : i32
    %mul3A_0 = arith.muli %arg1, %mul3A : i32
    "tpu.region"() ({
      %run_scoped3A = tpu.sem_alloc : memref<!tpu.dma_semaphore, #tpu.memory_space<semaphore_mem>>
      tpu.enqueue_dma source(%arg3 : memref<128x128xf32, #tpu.memory_space<hbm>>) target(%arg8 : memref<128x128xf32, #tpu.memory_space<vmem>>) target_semaphore(%run_scoped3A : memref<!tpu.dma_semaphore, #tpu.memory_space<semaphore_mem>>)
      tpu.wait_dma2 semaphore(%run_scoped3A : memref<!tpu.dma_semaphore, #tpu.memory_space<semaphore_mem>>) src(%arg3 : memref<128x128xf32, #tpu.memory_space<hbm>>) dst(%arg8 : memref<128x128xf32, #tpu.memory_space<vmem>>)
      tpu.yield
    }) : () -> ()
    %add3A = arith.constant 0 : i32
    %add3A_1 = arith.addi %mul3A_0, %add3A : i32
    "tpu.region"() ({
      %run_scoped3A = tpu.sem_alloc : memref<!tpu.dma_semaphore, #tpu.memory_space<semaphore_mem>>
      %dma_start3A = arith.constant 0 : i32
      %dma_start3A_41 = tpu.memref_slice %arg9[%add3A_1, %dma_start3A] : memref<10240x128xf32, #tpu.memory_space<vmem_shared>> -> memref<128x128xf32, #tpu.memory_space<vmem_shared>>
      %dma_start3A_42 = arith.constant 0 : i32
      %dma_start3A_43 = tpu.memref_slice %arg9[%add3A_1, %dma_start3A_42] : memref<10240x128xf32, #tpu.memory_space<vmem_shared>> -> memref<128x128xf32, #tpu.memory_space<vmem_shared>>
      tpu.enqueue_dma source(%arg8 : memref<128x128xf32, #tpu.memory_space<vmem>>) target(%dma_start3A_43 : memref<128x128xf32, #tpu.memory_space<vmem_shared>>) target_semaphore(%run_scoped3A : memref<!tpu.dma_semaphore, #tpu.memory_space<semaphore_mem>>)
      %dma_wait3A = arith.constant 0 : i32
      %dma_wait3A_44 = tpu.memref_slice %arg9[%add3A_1, %dma_wait3A] : memref<10240x128xf32, #tpu.memory_space<vmem_shared>> -> memref<128x128xf32, #tpu.memory_space<vmem_shared>>
      %dma_wait3A_45 = arith.constant 0 : i32
      %dma_wait3A_46 = tpu.memref_slice %arg9[%add3A_1, %dma_wait3A_45] : memref<10240x128xf32, #tpu.memory_space<vmem_shared>> -> memref<128x128xf32, #tpu.memory_space<vmem_shared>>
      tpu.wait_dma2 semaphore(%run_scoped3A : memref<!tpu.dma_semaphore, #tpu.memory_space<semaphore_mem>>) src(%arg8 : memref<128x128xf32, #tpu.memory_space<vmem>>) dst(%dma_wait3A_46 : memref<128x128xf32, #tpu.memory_space<vmem_shared>>)
      tpu.yield
    }) : () -> ()
    %add3A_2 = arith.constant 128 : i32
    %add3A_3 = arith.addi %mul3A_0, %add3A_2 : i32
    "tpu.region"() ({
      %run_scoped3A = tpu.sem_alloc : memref<!tpu.dma_semaphore, #tpu.memory_space<semaphore_mem>>
      %dma_start3A = arith.constant 0 : i32
      %dma_start3A_41 = tpu.memref_slice %arg9[%add3A_3, %dma_start3A] : memref<10240x128xf32, #tpu.memory_space<vmem_shared>> -> memref<128x128xf32, #tpu.memory_space<vmem_shared>>
      %dma_start3A_42 = arith.constant 0 : i32
      %dma_start3A_43 = tpu.memref_slice %arg9[%add3A_3, %dma_start3A_42] : memref<10240x128xf32, #tpu.memory_space<vmem_shared>> -> memref<128x128xf32, #tpu.memory_space<vmem_shared>>
      tpu.enqueue_dma source(%arg8 : memref<128x128xf32, #tpu.memory_space<vmem>>) target(%dma_start3A_43 : memref<128x128xf32, #tpu.memory_space<vmem_shared>>) target_semaphore(%run_scoped3A : memref<!tpu.dma_semaphore, #tpu.memory_space<semaphore_mem>>)
      %dma_wait3A = arith.constant 0 : i32
      %dma_wait3A_44 = tpu.memref_slice %arg9[%add3A_3, %dma_wait3A] : memref<10240x128xf32, #tpu.memory_space<vmem_shared>> -> memref<128x128xf32, #tpu.memory_space<vmem_shared>>
      %dma_wait3A_45 = arith.constant 0 : i32
      %dma_wait3A_46 = tpu.memref_slice %arg9[%add3A_3, %dma_wait3A_45] : memref<10240x128xf32, #tpu.memory_space<vmem_shared>> -> memref<128x128xf32, #tpu.memory_space<vmem_shared>>
      tpu.wait_dma2 semaphore(%run_scoped3A : memref<!tpu.dma_semaphore, #tpu.memory_space<semaphore_mem>>) src(%arg8 : memref<128x128xf32, #tpu.memory_space<vmem>>) dst(%dma_wait3A_46 : memref<128x128xf32, #tpu.memory_space<vmem_shared>>)
      tpu.yield
    }) : () -> ()
    %add3A_4 = arith.constant 256 : i32
    %add3A_5 = arith.addi %mul3A_0, %add3A_4 : i32
    "tpu.region"() ({
      %run_scoped3A = tpu.sem_alloc : memref<!tpu.dma_semaphore, #tpu.memory_space<semaphore_mem>>
      %dma_start3A = arith.constant 0 : i32
      %dma_start3A_41 = tpu.memref_slice %arg9[%add3A_5, %dma_start3A] : memref<10240x128xf32, #tpu.memory_space<vmem_shared>> -> memref<128x128xf32, #tpu.memory_space<vmem_shared>>
      %dma_start3A_42 = arith.constant 0 : i32
      %dma_start3A_43 = tpu.memref_slice %arg9[%add3A_5, %dma_start3A_42] : memref<10240x128xf32, #tpu.memory_space<vmem_shared>> -> memref<128x128xf32, #tpu.memory_space<vmem_shared>>
      tpu.enqueue_dma source(%arg8 : memref<128x128xf32, #tpu.memory_space<vmem>>) target(%dma_start3A_43 : memref<128x128xf32, #tpu.memory_space<vmem_shared>>) target_semaphore(%run_scoped3A : memref<!tpu.dma_semaphore, #tpu.memory_space<semaphore_mem>>)
      %dma_wait3A = arith.constant 0 : i32
      %dma_wait3A_44 = tpu.memref_slice %arg9[%add3A_5, %dma_wait3A] : memref<10240x128xf32, #tpu.memory_space<vmem_shared>> -> memref<128x128xf32, #tpu.memory_space<vmem_shared>>
      %dma_wait3A_45 = arith.constant 0 : i32
      %dma_wait3A_46 = tpu.memref_slice %arg9[%add3A_5, %dma_wait3A_45] : memref<10240x128xf32, #tpu.memory_space<vmem_shared>> -> memref<128x128xf32, #tpu.memory_space<vmem_shared>>
      tpu.wait_dma2 semaphore(%run_scoped3A : memref<!tpu.dma_semaphore, #tpu.memory_space<semaphore_mem>>) src(%arg8 : memref<128x128xf32, #tpu.memory_space<vmem>>) dst(%dma_wait3A_46 : memref<128x128xf32, #tpu.memory_space<vmem_shared>>)
      tpu.yield
    }) : () -> ()
    %add3A_6 = arith.constant 384 : i32
    %add3A_7 = arith.addi %mul3A_0, %add3A_6 : i32
    "tpu.region"() ({
      %run_scoped3A = tpu.sem_alloc : memref<!tpu.dma_semaphore, #tpu.memory_space<semaphore_mem>>
      %dma_start3A = arith.constant 0 : i32
      %dma_start3A_41 = tpu.memref_slice %arg9[%add3A_7, %dma_start3A] : memref<10240x128xf32, #tpu.memory_space<vmem_shared>> -> memref<128x128xf32, #tpu.memory_space<vmem_shared>>
      %dma_start3A_42 = arith.constant 0 : i32
      %dma_start3A_43 = tpu.memref_slice %arg9[%add3A_7, %dma_start3A_42] : memref<10240x128xf32, #tpu.memory_space<vmem_shared>> -> memref<128x128xf32, #tpu.memory_space<vmem_shared>>
      tpu.enqueue_dma source(%arg8 : memref<128x128xf32, #tpu.memory_space<vmem>>) target(%dma_start3A_43 : memref<128x128xf32, #tpu.memory_space<vmem_shared>>) target_semaphore(%run_scoped3A : memref<!tpu.dma_semaphore, #tpu.memory_space<semaphore_mem>>)
      %dma_wait3A = arith.constant 0 : i32
      %dma_wait3A_44 = tpu.memref_slice %arg9[%add3A_7, %dma_wait3A] : memref<10240x128xf32, #tpu.memory_space<vmem_shared>> -> memref<128x128xf32, #tpu.memory_space<vmem_shared>>
      %dma_wait3A_45 = arith.constant 0 : i32
      %dma_wait3A_46 = tpu.memref_slice %arg9[%add3A_7, %dma_wait3A_45] : memref<10240x128xf32, #tpu.memory_space<vmem_shared>> -> memref<128x128xf32, #tpu.memory_space<vmem_shared>>
      tpu.wait_dma2 semaphore(%run_scoped3A : memref<!tpu.dma_semaphore, #tpu.memory_space<semaphore_mem>>) src(%arg8 : memref<128x128xf32, #tpu.memory_space<vmem>>) dst(%dma_wait3A_46 : memref<128x128xf32, #tpu.memory_space<vmem_shared>>)
      tpu.yield
    }) : () -> ()
    %add3A_8 = arith.constant 512 : i32
    %add3A_9 = arith.addi %mul3A_0, %add3A_8 : i32
    "tpu.region"() ({
      %run_scoped3A = tpu.sem_alloc : memref<!tpu.dma_semaphore, #tpu.memory_space<semaphore_mem>>
      %dma_start3A = arith.constant 0 : i32
      %dma_start3A_41 = tpu.memref_slice %arg9[%add3A_9, %dma_start3A] : memref<10240x128xf32, #tpu.memory_space<vmem_shared>> -> memref<128x128xf32, #tpu.memory_space<vmem_shared>>
      %dma_start3A_42 = arith.constant 0 : i32
      %dma_start3A_43 = tpu.memref_slice %arg9[%add3A_9, %dma_start3A_42] : memref<10240x128xf32, #tpu.memory_space<vmem_shared>> -> memref<128x128xf32, #tpu.memory_space<vmem_shared>>
      tpu.enqueue_dma source(%arg8 : memref<128x128xf32, #tpu.memory_space<vmem>>) target(%dma_start3A_43 : memref<128x128xf32, #tpu.memory_space<vmem_shared>>) target_semaphore(%run_scoped3A : memref<!tpu.dma_semaphore, #tpu.memory_space<semaphore_mem>>)
      %dma_wait3A = arith.constant 0 : i32
      %dma_wait3A_44 = tpu.memref_slice %arg9[%add3A_9, %dma_wait3A] : memref<10240x128xf32, #tpu.memory_space<vmem_shared>> -> memref<128x128xf32, #tpu.memory_space<vmem_shared>>
      %dma_wait3A_45 = arith.constant 0 : i32
      %dma_wait3A_46 = tpu.memref_slice %arg9[%add3A_9, %dma_wait3A_45] : memref<10240x128xf32, #tpu.memory_space<vmem_shared>> -> memref<128x128xf32, #tpu.memory_space<vmem_shared>>
      tpu.wait_dma2 semaphore(%run_scoped3A : memref<!tpu.dma_semaphore, #tpu.memory_space<semaphore_mem>>) src(%arg8 : memref<128x128xf32, #tpu.memory_space<vmem>>) dst(%dma_wait3A_46 : memref<128x128xf32, #tpu.memory_space<vmem_shared>>)
      tpu.yield
    }) : () -> ()
    "tpu.region"() ({
      %run_scoped3A = tpu.sem_alloc : memref<!tpu.dma_semaphore, #tpu.memory_space<semaphore_mem>>
      tpu.enqueue_dma source(%arg4 : memref<128x128xf32, #tpu.memory_space<hbm>>) target(%arg7 : memref<128x128xf32, #tpu.memory_space<vmem>>) target_semaphore(%run_scoped3A : memref<!tpu.dma_semaphore, #tpu.memory_space<semaphore_mem>>)
      tpu.wait_dma2 semaphore(%run_scoped3A : memref<!tpu.dma_semaphore, #tpu.memory_space<semaphore_mem>>) src(%arg4 : memref<128x128xf32, #tpu.memory_space<hbm>>) dst(%arg7 : memref<128x128xf32, #tpu.memory_space<vmem>>)
      tpu.yield
    }) : () -> ()
    %barrier3A = arith.constant 0 : index
    tpu.barrier barrier_id(%barrier3A)
    %scan3A = arith.constant 0 : i32
    %scan3A_10 = arith.constant 0 : i32
    %scan3A_11 = arith.constant 79 : i32
    %scan3A_12 = arith.addi %scan3A_10, %scan3A_11 : i32
    %scan3A_13 = arith.constant 1 : i32
    scf.for %scan3A_41 = %scan3A_10 to %scan3A_12 step %scan3A_13  : i32 {
      %mul3A_42 = arith.constant 16 : i32
      %mul3A_43 = arith.muli %mul3A_42, %scan3A_41 : i32
      %add3A_44 = arith.addi %arg1, %mul3A_43 : i32
      %lt3A = arith.constant 1250 : i32
      %lt3A_45 = arith.cmpi slt, %add3A_44, %lt3A : i32
      %convert_element_type3A = arith.extui %lt3A_45 : i1 to i32
      %cond3A = arith.constant 0 : i32
      %cond3A_46 = arith.cmpi ne, %convert_element_type3A, %cond3A : i32
      scf.if %cond3A_46 {
        %mul3A_47 = arith.constant 2 : i32
        %mul3A_48 = arith.muli %mul3A_47, %add3A_44 : i32
        %add3A_49 = arith.addi %arg0, %mul3A_48 : i32
        %mul3A_50 = arith.constant 128 : i32
        %mul3A_51 = arith.muli %add3A_49, %mul3A_50 : i32
        "tpu.region"() ({
          %run_scoped3A = tpu.sem_alloc : memref<!tpu.dma_semaphore, #tpu.memory_space<semaphore_mem>>
          %dma_start3A = tpu.memref_slice %arg2[%mul3A_51] : memref<320000xi32, #tpu.memory_space<hbm>> -> memref<128xi32, #tpu.memory_space<hbm>>
          %dma_start3A_52 = tpu.memref_slice %arg2[%mul3A_51] : memref<320000xi32, #tpu.memory_space<hbm>> -> memref<128xi32, #tpu.memory_space<hbm>>
          tpu.enqueue_dma source(%dma_start3A_52 : memref<128xi32, #tpu.memory_space<hbm>>) target(%arg6 : memref<128xi32, #tpu.memory_space<vmem>>) target_semaphore(%run_scoped3A : memref<!tpu.dma_semaphore, #tpu.memory_space<semaphore_mem>>)
          %dma_wait3A = tpu.memref_slice %arg2[%mul3A_51] : memref<320000xi32, #tpu.memory_space<hbm>> -> memref<128xi32, #tpu.memory_space<hbm>>
          %dma_wait3A_53 = tpu.memref_slice %arg2[%mul3A_51] : memref<320000xi32, #tpu.memory_space<hbm>> -> memref<128xi32, #tpu.memory_space<hbm>>
          tpu.wait_dma2 semaphore(%run_scoped3A : memref<!tpu.dma_semaphore, #tpu.memory_space<semaphore_mem>>) src(%dma_wait3A_53 : memref<128xi32, #tpu.memory_space<hbm>>) dst(%arg6 : memref<128xi32, #tpu.memory_space<vmem>>)
          tpu.yield
        }) : () -> ()
        "tpu.region"() ({
          %run_scoped3A = tpu.sem_alloc : memref<!tpu.dma_semaphore, #tpu.memory_space<semaphore_mem>>
          %dma_start3A = arith.constant 0 : i32
          %dma_start3A_52 = arith.constant 0 : i32
          %dma_start3A_53 = tpu.memref_slice %arg9[%dma_start3A, %dma_start3A_52] : memref<10240x128xf32, #tpu.memory_space<vmem_shared>> -> memref<10240x128xf32, #tpu.memory_space<vmem_shared>>
          tpu.enqueue_indirect_dma source(%arg7 : memref<128x128xf32, #tpu.memory_space<vmem>>) target(%dma_start3A_53 : memref<10240x128xf32, #tpu.memory_space<vmem_shared>>) offsets(%arg6 : memref<128xi32, #tpu.memory_space<vmem>>) semaphore(%run_scoped3A : memref<!tpu.dma_semaphore, #tpu.memory_space<semaphore_mem>>) {add = true}
          %dma_wait3A = arith.constant 0 : i32
          %dma_wait3A_54 = arith.constant 0 : i32
          %dma_wait3A_55 = tpu.memref_slice %arg9[%dma_wait3A, %dma_wait3A_54] : memref<10240x128xf32, #tpu.memory_space<vmem_shared>> -> memref<10240x128xf32, #tpu.memory_space<vmem_shared>>
          tpu.wait_indirect_dma semaphore(%run_scoped3A : memref<!tpu.dma_semaphore, #tpu.memory_space<semaphore_mem>>) src(%arg7 : memref<128x128xf32, #tpu.memory_space<vmem>>) dst(%dma_wait3A_55 : memref<10240x128xf32, #tpu.memory_space<vmem_shared>>)
          tpu.yield
        }) : () -> ()
      } else {
      }
    }
    %scan3A_14 = arith.constant 79 : i32
    %barrier3A_15 = arith.constant 0 : index
    tpu.barrier barrier_id(%barrier3A_15)
    %add3A_16 = arith.constant 0 : i32
    %add3A_17 = arith.addi %mul3A_0, %add3A_16 : i32
    "tpu.region"() ({
      %run_scoped3A = tpu.sem_alloc : memref<!tpu.dma_semaphore, #tpu.memory_space<semaphore_mem>>
      %dma_start3A = arith.constant 0 : i32
      %dma_start3A_41 = tpu.memref_slice %arg9[%add3A_17, %dma_start3A] : memref<10240x128xf32, #tpu.memory_space<vmem_shared>> -> memref<128x128xf32, #tpu.memory_space<vmem_shared>>
      %dma_start3A_42 = arith.constant 0 : i32
      %dma_start3A_43 = tpu.memref_slice %arg9[%add3A_17, %dma_start3A_42] : memref<10240x128xf32, #tpu.memory_space<vmem_shared>> -> memref<128x128xf32, #tpu.memory_space<vmem_shared>>
      tpu.enqueue_dma source(%dma_start3A_43 : memref<128x128xf32, #tpu.memory_space<vmem_shared>>) target(%arg8 : memref<128x128xf32, #tpu.memory_space<vmem>>) target_semaphore(%run_scoped3A : memref<!tpu.dma_semaphore, #tpu.memory_space<semaphore_mem>>)
      %dma_wait3A = arith.constant 0 : i32
      %dma_wait3A_44 = tpu.memref_slice %arg9[%add3A_17, %dma_wait3A] : memref<10240x128xf32, #tpu.memory_space<vmem_shared>> -> memref<128x128xf32, #tpu.memory_space<vmem_shared>>
      %dma_wait3A_45 = arith.constant 0 : i32
      %dma_wait3A_46 = tpu.memref_slice %arg9[%add3A_17, %dma_wait3A_45] : memref<10240x128xf32, #tpu.memory_space<vmem_shared>> -> memref<128x128xf32, #tpu.memory_space<vmem_shared>>
      tpu.wait_dma2 semaphore(%run_scoped3A : memref<!tpu.dma_semaphore, #tpu.memory_space<semaphore_mem>>) src(%dma_wait3A_46 : memref<128x128xf32, #tpu.memory_space<vmem_shared>>) dst(%arg8 : memref<128x128xf32, #tpu.memory_space<vmem>>)
      tpu.yield
    }) : () -> ()
    %mul3A_18 = arith.constant 10240 : i32
    %mul3A_19 = arith.muli %arg0, %mul3A_18 : i32
    %add3A_20 = arith.addi %mul3A_19, %add3A_17 : i32
    "tpu.region"() ({
      %run_scoped3A = tpu.sem_alloc : memref<!tpu.dma_semaphore, #tpu.memory_space<semaphore_mem>>
      %dma_start3A = arith.constant 0 : i32
      %dma_start3A_41 = tpu.memref_slice %arg5[%add3A_20, %dma_start3A] : memref<20480x128xf32, #tpu.memory_space<hbm>> -> memref<128x128xf32, #tpu.memory_space<hbm>>
      %dma_start3A_42 = arith.constant 0 : i32
      %dma_start3A_43 = tpu.memref_slice %arg5[%add3A_20, %dma_start3A_42] : memref<20480x128xf32, #tpu.memory_space<hbm>> -> memref<128x128xf32, #tpu.memory_space<hbm>>
      tpu.enqueue_dma source(%arg8 : memref<128x128xf32, #tpu.memory_space<vmem>>) target(%dma_start3A_43 : memref<128x128xf32, #tpu.memory_space<hbm>>) target_semaphore(%run_scoped3A : memref<!tpu.dma_semaphore, #tpu.memory_space<semaphore_mem>>)
      %dma_wait3A = arith.constant 0 : i32
      %dma_wait3A_44 = tpu.memref_slice %arg5[%add3A_20, %dma_wait3A] : memref<20480x128xf32, #tpu.memory_space<hbm>> -> memref<128x128xf32, #tpu.memory_space<hbm>>
      %dma_wait3A_45 = arith.constant 0 : i32
      %dma_wait3A_46 = tpu.memref_slice %arg5[%add3A_20, %dma_wait3A_45] : memref<20480x128xf32, #tpu.memory_space<hbm>> -> memref<128x128xf32, #tpu.memory_space<hbm>>
      tpu.wait_dma2 semaphore(%run_scoped3A : memref<!tpu.dma_semaphore, #tpu.memory_space<semaphore_mem>>) src(%arg8 : memref<128x128xf32, #tpu.memory_space<vmem>>) dst(%dma_wait3A_46 : memref<128x128xf32, #tpu.memory_space<hbm>>)
      tpu.yield
    }) : () -> ()
    %add3A_21 = arith.constant 128 : i32
    %add3A_22 = arith.addi %mul3A_0, %add3A_21 : i32
    "tpu.region"() ({
      %run_scoped3A = tpu.sem_alloc : memref<!tpu.dma_semaphore, #tpu.memory_space<semaphore_mem>>
      %dma_start3A = arith.constant 0 : i32
      %dma_start3A_41 = tpu.memref_slice %arg9[%add3A_22, %dma_start3A] : memref<10240x128xf32, #tpu.memory_space<vmem_shared>> -> memref<128x128xf32, #tpu.memory_space<vmem_shared>>
      %dma_start3A_42 = arith.constant 0 : i32
      %dma_start3A_43 = tpu.memref_slice %arg9[%add3A_22, %dma_start3A_42] : memref<10240x128xf32, #tpu.memory_space<vmem_shared>> -> memref<128x128xf32, #tpu.memory_space<vmem_shared>>
      tpu.enqueue_dma source(%dma_start3A_43 : memref<128x128xf32, #tpu.memory_space<vmem_shared>>) target(%arg8 : memref<128x128xf32, #tpu.memory_space<vmem>>) target_semaphore(%run_scoped3A : memref<!tpu.dma_semaphore, #tpu.memory_space<semaphore_mem>>)
      %dma_wait3A = arith.constant 0 : i32
      %dma_wait3A_44 = tpu.memref_slice %arg9[%add3A_22, %dma_wait3A] : memref<10240x128xf32, #tpu.memory_space<vmem_shared>> -> memref<128x128xf32, #tpu.memory_space<vmem_shared>>
      %dma_wait3A_45 = arith.constant 0 : i32
      %dma_wait3A_46 = tpu.memref_slice %arg9[%add3A_22, %dma_wait3A_45] : memref<10240x128xf32, #tpu.memory_space<vmem_shared>> -> memref<128x128xf32, #tpu.memory_space<vmem_shared>>
      tpu.wait_dma2 semaphore(%run_scoped3A : memref<!tpu.dma_semaphore, #tpu.memory_space<semaphore_mem>>) src(%dma_wait3A_46 : memref<128x128xf32, #tpu.memory_space<vmem_shared>>) dst(%arg8 : memref<128x128xf32, #tpu.memory_space<vmem>>)
      tpu.yield
    }) : () -> ()
    %mul3A_23 = arith.constant 10240 : i32
    %mul3A_24 = arith.muli %arg0, %mul3A_23 : i32
    %add3A_25 = arith.addi %mul3A_24, %add3A_22 : i32
    "tpu.region"() ({
      %run_scoped3A = tpu.sem_alloc : memref<!tpu.dma_semaphore, #tpu.memory_space<semaphore_mem>>
      %dma_start3A = arith.constant 0 : i32
      %dma_start3A_41 = tpu.memref_slice %arg5[%add3A_25, %dma_start3A] : memref<20480x128xf32, #tpu.memory_space<hbm>> -> memref<128x128xf32, #tpu.memory_space<hbm>>
      %dma_start3A_42 = arith.constant 0 : i32
      %dma_start3A_43 = tpu.memref_slice %arg5[%add3A_25, %dma_start3A_42] : memref<20480x128xf32, #tpu.memory_space<hbm>> -> memref<128x128xf32, #tpu.memory_space<hbm>>
      tpu.enqueue_dma source(%arg8 : memref<128x128xf32, #tpu.memory_space<vmem>>) target(%dma_start3A_43 : memref<128x128xf32, #tpu.memory_space<hbm>>) target_semaphore(%run_scoped3A : memref<!tpu.dma_semaphore, #tpu.memory_space<semaphore_mem>>)
      %dma_wait3A = arith.constant 0 : i32
      %dma_wait3A_44 = tpu.memref_slice %arg5[%add3A_25, %dma_wait3A] : memref<20480x128xf32, #tpu.memory_space<hbm>> -> memref<128x128xf32, #tpu.memory_space<hbm>>
      %dma_wait3A_45 = arith.constant 0 : i32
      %dma_wait3A_46 = tpu.memref_slice %arg5[%add3A_25, %dma_wait3A_45] : memref<20480x128xf32, #tpu.memory_space<hbm>> -> memref<128x128xf32, #tpu.memory_space<hbm>>
      tpu.wait_dma2 semaphore(%run_scoped3A : memref<!tpu.dma_semaphore, #tpu.memory_space<semaphore_mem>>) src(%arg8 : memref<128x128xf32, #tpu.memory_space<vmem>>) dst(%dma_wait3A_46 : memref<128x128xf32, #tpu.memory_space<hbm>>)
      tpu.yield
    }) : () -> ()
    %add3A_26 = arith.constant 256 : i32
    %add3A_27 = arith.addi %mul3A_0, %add3A_26 : i32
    "tpu.region"() ({
      %run_scoped3A = tpu.sem_alloc : memref<!tpu.dma_semaphore, #tpu.memory_space<semaphore_mem>>
      %dma_start3A = arith.constant 0 : i32
      %dma_start3A_41 = tpu.memref_slice %arg9[%add3A_27, %dma_start3A] : memref<10240x128xf32, #tpu.memory_space<vmem_shared>> -> memref<128x128xf32, #tpu.memory_space<vmem_shared>>
      %dma_start3A_42 = arith.constant 0 : i32
      %dma_start3A_43 = tpu.memref_slice %arg9[%add3A_27, %dma_start3A_42] : memref<10240x128xf32, #tpu.memory_space<vmem_shared>> -> memref<128x128xf32, #tpu.memory_space<vmem_shared>>
      tpu.enqueue_dma source(%dma_start3A_43 : memref<128x128xf32, #tpu.memory_space<vmem_shared>>) target(%arg8 : memref<128x128xf32, #tpu.memory_space<vmem>>) target_semaphore(%run_scoped3A : memref<!tpu.dma_semaphore, #tpu.memory_space<semaphore_mem>>)
      %dma_wait3A = arith.constant 0 : i32
      %dma_wait3A_44 = tpu.memref_slice %arg9[%add3A_27, %dma_wait3A] : memref<10240x128xf32, #tpu.memory_space<vmem_shared>> -> memref<128x128xf32, #tpu.memory_space<vmem_shared>>
      %dma_wait3A_45 = arith.constant 0 : i32
      %dma_wait3A_46 = tpu.memref_slice %arg9[%add3A_27, %dma_wait3A_45] : memref<10240x128xf32, #tpu.memory_space<vmem_shared>> -> memref<128x128xf32, #tpu.memory_space<vmem_shared>>
      tpu.wait_dma2 semaphore(%run_scoped3A : memref<!tpu.dma_semaphore, #tpu.memory_space<semaphore_mem>>) src(%dma_wait3A_46 : memref<128x128xf32, #tpu.memory_space<vmem_shared>>) dst(%arg8 : memref<128x128xf32, #tpu.memory_space<vmem>>)
      tpu.yield
    }) : () -> ()
    %mul3A_28 = arith.constant 10240 : i32
    %mul3A_29 = arith.muli %arg0, %mul3A_28 : i32
    %add3A_30 = arith.addi %mul3A_29, %add3A_27 : i32
    "tpu.region"() ({
      %run_scoped3A = tpu.sem_alloc : memref<!tpu.dma_semaphore, #tpu.memory_space<semaphore_mem>>
      %dma_start3A = arith.constant 0 : i32
      %dma_start3A_41 = tpu.memref_slice %arg5[%add3A_30, %dma_start3A] : memref<20480x128xf32, #tpu.memory_space<hbm>> -> memref<128x128xf32, #tpu.memory_space<hbm>>
      %dma_start3A_42 = arith.constant 0 : i32
      %dma_start3A_43 = tpu.memref_slice %arg5[%add3A_30, %dma_start3A_42] : memref<20480x128xf32, #tpu.memory_space<hbm>> -> memref<128x128xf32, #tpu.memory_space<hbm>>
      tpu.enqueue_dma source(%arg8 : memref<128x128xf32, #tpu.memory_space<vmem>>) target(%dma_start3A_43 : memref<128x128xf32, #tpu.memory_space<hbm>>) target_semaphore(%run_scoped3A : memref<!tpu.dma_semaphore, #tpu.memory_space<semaphore_mem>>)
      %dma_wait3A = arith.constant 0 : i32
      %dma_wait3A_44 = tpu.memref_slice %arg5[%add3A_30, %dma_wait3A] : memref<20480x128xf32, #tpu.memory_space<hbm>> -> memref<128x128xf32, #tpu.memory_space<hbm>>
      %dma_wait3A_45 = arith.constant 0 : i32
      %dma_wait3A_46 = tpu.memref_slice %arg5[%add3A_30, %dma_wait3A_45] : memref<20480x128xf32, #tpu.memory_space<hbm>> -> memref<128x128xf32, #tpu.memory_space<hbm>>
      tpu.wait_dma2 semaphore(%run_scoped3A : memref<!tpu.dma_semaphore, #tpu.memory_space<semaphore_mem>>) src(%arg8 : memref<128x128xf32, #tpu.memory_space<vmem>>) dst(%dma_wait3A_46 : memref<128x128xf32, #tpu.memory_space<hbm>>)
      tpu.yield
    }) : () -> ()
    %add3A_31 = arith.constant 384 : i32
    %add3A_32 = arith.addi %mul3A_0, %add3A_31 : i32
    "tpu.region"() ({
      %run_scoped3A = tpu.sem_alloc : memref<!tpu.dma_semaphore, #tpu.memory_space<semaphore_mem>>
      %dma_start3A = arith.constant 0 : i32
      %dma_start3A_41 = tpu.memref_slice %arg9[%add3A_32, %dma_start3A] : memref<10240x128xf32, #tpu.memory_space<vmem_shared>> -> memref<128x128xf32, #tpu.memory_space<vmem_shared>>
      %dma_start3A_42 = arith.constant 0 : i32
      %dma_start3A_43 = tpu.memref_slice %arg9[%add3A_32, %dma_start3A_42] : memref<10240x128xf32, #tpu.memory_space<vmem_shared>> -> memref<128x128xf32, #tpu.memory_space<vmem_shared>>
      tpu.enqueue_dma source(%dma_start3A_43 : memref<128x128xf32, #tpu.memory_space<vmem_shared>>) target(%arg8 : memref<128x128xf32, #tpu.memory_space<vmem>>) target_semaphore(%run_scoped3A : memref<!tpu.dma_semaphore, #tpu.memory_space<semaphore_mem>>)
      %dma_wait3A = arith.constant 0 : i32
      %dma_wait3A_44 = tpu.memref_slice %arg9[%add3A_32, %dma_wait3A] : memref<10240x128xf32, #tpu.memory_space<vmem_shared>> -> memref<128x128xf32, #tpu.memory_space<vmem_shared>>
      %dma_wait3A_45 = arith.constant 0 : i32
      %dma_wait3A_46 = tpu.memref_slice %arg9[%add3A_32, %dma_wait3A_45] : memref<10240x128xf32, #tpu.memory_space<vmem_shared>> -> memref<128x128xf32, #tpu.memory_space<vmem_shared>>
      tpu.wait_dma2 semaphore(%run_scoped3A : memref<!tpu.dma_semaphore, #tpu.memory_space<semaphore_mem>>) src(%dma_wait3A_46 : memref<128x128xf32, #tpu.memory_space<vmem_shared>>) dst(%arg8 : memref<128x128xf32, #tpu.memory_space<vmem>>)
      tpu.yield
    }) : () -> ()
    %mul3A_33 = arith.constant 10240 : i32
    %mul3A_34 = arith.muli %arg0, %mul3A_33 : i32
    %add3A_35 = arith.addi %mul3A_34, %add3A_32 : i32
    "tpu.region"() ({
      %run_scoped3A = tpu.sem_alloc : memref<!tpu.dma_semaphore, #tpu.memory_space<semaphore_mem>>
      %dma_start3A = arith.constant 0 : i32
      %dma_start3A_41 = tpu.memref_slice %arg5[%add3A_35, %dma_start3A] : memref<20480x128xf32, #tpu.memory_space<hbm>> -> memref<128x128xf32, #tpu.memory_space<hbm>>
      %dma_start3A_42 = arith.constant 0 : i32
      %dma_start3A_43 = tpu.memref_slice %arg5[%add3A_35, %dma_start3A_42] : memref<20480x128xf32, #tpu.memory_space<hbm>> -> memref<128x128xf32, #tpu.memory_space<hbm>>
      tpu.enqueue_dma source(%arg8 : memref<128x128xf32, #tpu.memory_space<vmem>>) target(%dma_start3A_43 : memref<128x128xf32, #tpu.memory_space<hbm>>) target_semaphore(%run_scoped3A : memref<!tpu.dma_semaphore, #tpu.memory_space<semaphore_mem>>)
      %dma_wait3A = arith.constant 0 : i32
      %dma_wait3A_44 = tpu.memref_slice %arg5[%add3A_35, %dma_wait3A] : memref<20480x128xf32, #tpu.memory_space<hbm>> -> memref<128x128xf32, #tpu.memory_space<hbm>>
      %dma_wait3A_45 = arith.constant 0 : i32
      %dma_wait3A_46 = tpu.memref_slice %arg5[%add3A_35, %dma_wait3A_45] : memref<20480x128xf32, #tpu.memory_space<hbm>> -> memref<128x128xf32, #tpu.memory_space<hbm>>
      tpu.wait_dma2 semaphore(%run_scoped3A : memref<!tpu.dma_semaphore, #tpu.memory_space<semaphore_mem>>) src(%arg8 : memref<128x128xf32, #tpu.memory_space<vmem>>) dst(%dma_wait3A_46 : memref<128x128xf32, #tpu.memory_space<hbm>>)
      tpu.yield
    }) : () -> ()
    %add3A_36 = arith.constant 512 : i32
    %add3A_37 = arith.addi %mul3A_0, %add3A_36 : i32
    "tpu.region"() ({
      %run_scoped3A = tpu.sem_alloc : memref<!tpu.dma_semaphore, #tpu.memory_space<semaphore_mem>>
      %dma_start3A = arith.constant 0 : i32
      %dma_start3A_41 = tpu.memref_slice %arg9[%add3A_37, %dma_start3A] : memref<10240x128xf32, #tpu.memory_space<vmem_shared>> -> memref<128x128xf32, #tpu.memory_space<vmem_shared>>
      %dma_start3A_42 = arith.constant 0 : i32
      %dma_start3A_43 = tpu.memref_slice %arg9[%add3A_37, %dma_start3A_42] : memref<10240x128xf32, #tpu.memory_space<vmem_shared>> -> memref<128x128xf32, #tpu.memory_space<vmem_shared>>
      tpu.enqueue_dma source(%dma_start3A_43 : memref<128x128xf32, #tpu.memory_space<vmem_shared>>) target(%arg8 : memref<128x128xf32, #tpu.memory_space<vmem>>) target_semaphore(%run_scoped3A : memref<!tpu.dma_semaphore, #tpu.memory_space<semaphore_mem>>)
      %dma_wait3A = arith.constant 0 : i32
      %dma_wait3A_44 = tpu.memref_slice %arg9[%add3A_37, %dma_wait3A] : memref<10240x128xf32, #tpu.memory_space<vmem_shared>> -> memref<128x128xf32, #tpu.memory_space<vmem_shared>>
      %dma_wait3A_45 = arith.constant 0 : i32
      %dma_wait3A_46 = tpu.memref_slice %arg9[%add3A_37, %dma_wait3A_45] : memref<10240x128xf32, #tpu.memory_space<vmem_shared>> -> memref<128x128xf32, #tpu.memory_space<vmem_shared>>
      tpu.wait_dma2 semaphore(%run_scoped3A : memref<!tpu.dma_semaphore, #tpu.memory_space<semaphore_mem>>) src(%dma_wait3A_46 : memref<128x128xf32, #tpu.memory_space<vmem_shared>>) dst(%arg8 : memref<128x128xf32, #tpu.memory_space<vmem>>)
      tpu.yield
    }) : () -> ()
    %mul3A_38 = arith.constant 10240 : i32
    %mul3A_39 = arith.muli %arg0, %mul3A_38 : i32
    %add3A_40 = arith.addi %mul3A_39, %add3A_37 : i32
    "tpu.region"() ({
      %run_scoped3A = tpu.sem_alloc : memref<!tpu.dma_semaphore, #tpu.memory_space<semaphore_mem>>
      %dma_start3A = arith.constant 0 : i32
      %dma_start3A_41 = tpu.memref_slice %arg5[%add3A_40, %dma_start3A] : memref<20480x128xf32, #tpu.memory_space<hbm>> -> memref<128x128xf32, #tpu.memory_space<hbm>>
      %dma_start3A_42 = arith.constant 0 : i32
      %dma_start3A_43 = tpu.memref_slice %arg5[%add3A_40, %dma_start3A_42] : memref<20480x128xf32, #tpu.memory_space<hbm>> -> memref<128x128xf32, #tpu.memory_space<hbm>>
      tpu.enqueue_dma source(%arg8 : memref<128x128xf32, #tpu.memory_space<vmem>>) target(%dma_start3A_43 : memref<128x128xf32, #tpu.memory_space<hbm>>) target_semaphore(%run_scoped3A : memref<!tpu.dma_semaphore, #tpu.memory_space<semaphore_mem>>)
      %dma_wait3A = arith.constant 0 : i32
      %dma_wait3A_44 = tpu.memref_slice %arg5[%add3A_40, %dma_wait3A] : memref<20480x128xf32, #tpu.memory_space<hbm>> -> memref<128x128xf32, #tpu.memory_space<hbm>>
      %dma_wait3A_45 = arith.constant 0 : i32
      %dma_wait3A_46 = tpu.memref_slice %arg5[%add3A_40, %dma_wait3A_45] : memref<20480x128xf32, #tpu.memory_space<hbm>> -> memref<128x128xf32, #tpu.memory_space<hbm>>
      tpu.wait_dma2 semaphore(%run_scoped3A : memref<!tpu.dma_semaphore, #tpu.memory_space<semaphore_mem>>) src(%arg8 : memref<128x128xf32, #tpu.memory_space<vmem>>) dst(%dma_wait3A_46 : memref<128x128xf32, #tpu.memory_space<hbm>>)
      tpu.yield
    }) : () -> ()
    return
  }
}

module attributes {stable_mosaic.version = 14 : i64} {
  func.func @_linear_body(%arg0: i32, %arg1: memref<1000x128xf32, #tpu.memory_space<vmem>>, %arg2: memref<128x128xf32, #tpu.memory_space<vmem>>, %arg3: memref<1x128xf32, #tpu.memory_space<vmem>>, %arg4: memref<1000x128xf32, #tpu.memory_space<vmem>>) attributes {dimension_semantics = [#tpu.dimension_semantics<arbitrary>], iteration_bounds = array<i64: 10>, scalar_prefetch = 0 : i64, scratch_operands = 0 : i64, tpu.core_type = #tpu.core_type<tc>, window_params = [{transform_indices = @transform_0, window_bounds = array<i64: 1000, 128>}, {pipeline_mode = #tpu.pipeline_mode<synchronous>, transform_indices = @transform_1, window_bounds = array<i64: 128, 128>}, {pipeline_mode = #tpu.pipeline_mode<synchronous>, transform_indices = @transform_2, window_bounds = array<i64: 1, 128>}, {transform_indices = @transform_3, window_bounds = array<i64: 1000, 128>}]} {
    %get3A = arith.constant 0 : index
    %get3A_0 = arith.constant 0 : index
    %get3A_1 = vector.load %arg1[%get3A, %get3A_0] : memref<1000x128xf32, #tpu.memory_space<vmem>>, vector<1000x128xf32>
    %get3A_2 = arith.constant 0 : index
    %get3A_3 = arith.constant 0 : index
    %get3A_4 = vector.load %arg2[%get3A_2, %get3A_3] : memref<128x128xf32, #tpu.memory_space<vmem>>, vector<128x128xf32>
    %dot_general3A = arith.constant dense<0.000000e+00> : vector<1000x128xf32>
    %dot_general3A_5 = tpu.matmul %get3A_1, %get3A_4, %dot_general3A {dimension_numbers = #tpu.dot_dimension_numbers<[1], [0], [0], [1], [0, 0, 1, 1], [], []>, transpose_lhs_hint = false} : vector<1000x128xf32>, vector<128x128xf32>, vector<1000x128xf32> -> vector<1000x128xf32>
    %get3A_6 = arith.constant 0 : index
    %get3A_7 = arith.constant 0 : index
    %get3A_8 = vector.load %arg3[%get3A_6, %get3A_7] : memref<1x128xf32, #tpu.memory_space<vmem>>, vector<1x128xf32>
    %add3A = vector.broadcast %get3A_8 : vector<1x128xf32> to vector<1000x128xf32>
    %add3A_9 = arith.addf %dot_general3A_5, %add3A : vector<1000x128xf32>
    %swap3A = arith.constant 0 : index
    %swap3A_10 = arith.constant 0 : index
    %swap3A_11 = vector.load %arg4[%swap3A, %swap3A_10] : memref<1000x128xf32, #tpu.memory_space<vmem>>, vector<1000x128xf32>
    tpu.vector_store %arg4[%swap3A, %swap3A_10], %add3A_9 {strides = array<i32>} : memref<1000x128xf32, #tpu.memory_space<vmem>>, vector<1000x128xf32>,
    return
  }
  func.func @transform_0(%arg0: i32) -> (i32, i32) {
    %c0_i32 = arith.constant 0 : i32
    %c0_i32_0 = arith.constant 0 : i32
    return %arg0, %c0_i32 : i32, i32
  }
  func.func @transform_1(%arg0: i32) -> (i32, i32) {
    %c0_i32 = arith.constant 0 : i32
    %c0_i32_0 = arith.constant 0 : i32
    %c0_i32_1 = arith.constant 0 : i32
    return %c0_i32, %c0_i32_0 : i32, i32
  }
  func.func @transform_2(%arg0: i32) -> (i32, i32) {
    %c0_i32 = arith.constant 0 : i32
    %c0_i32_0 = arith.constant 0 : i32
    %c0_i32_1 = arith.constant 0 : i32
    return %c0_i32, %c0_i32_0 : i32, i32
  }
  func.func @transform_3(%arg0: i32) -> (i32, i32) {
    %c0_i32 = arith.constant 0 : i32
    %c0_i32_0 = arith.constant 0 : i32
    return %arg0, %c0_i32 : i32, i32
  }
}

module attributes {stable_mosaic.version = 14 : i64} {
  func.func @_mrl_body(%arg0: i32, %arg1: memref<2x1000x128xf32, #tpu.memory_space<vmem>>, %arg2: memref<2x1000x128xf32, #tpu.memory_space<vmem>>, %arg3: memref<128x128xf32, #tpu.memory_space<vmem>>, %arg4: memref<1x128xf32, #tpu.memory_space<vmem>>, %arg5: memref<1000x128xf32, #tpu.memory_space<vmem>>) attributes {dimension_semantics = [#tpu.dimension_semantics<arbitrary>], iteration_bounds = array<i64: 10>, scalar_prefetch = 0 : i64, scratch_operands = 0 : i64, tpu.core_type = #tpu.core_type<tc>, window_params = [{transform_indices = @transform_0, window_bounds = array<i64: 2, 1000, 128>}, {transform_indices = @transform_1, window_bounds = array<i64: 2, 1000, 128>}, {pipeline_mode = #tpu.pipeline_mode<synchronous>, transform_indices = @transform_2, window_bounds = array<i64: 128, 128>}, {pipeline_mode = #tpu.pipeline_mode<synchronous>, transform_indices = @transform_3, window_bounds = array<i64: 1, 128>}, {transform_indices = @transform_4, window_bounds = array<i64: 1000, 128>}]} {
    %get3A = arith.constant 0 : index
    %get3A_0 = arith.constant 0 : index
    %get3A_1 = arith.constant 0 : index
    %get3A_2 = vector.load %arg1[%get3A, %get3A_0, %get3A_1] : memref<2x1000x128xf32, #tpu.memory_space<vmem>>, vector<1x1000x128xf32>
    %get3A_3 = vector.shape_cast %get3A_2 : vector<1x1000x128xf32> to vector<1000x128xf32>
    %get3A_4 = arith.constant 1 : index
    %get3A_5 = arith.constant 0 : index
    %get3A_6 = arith.constant 0 : index
    %get3A_7 = vector.load %arg1[%get3A_4, %get3A_5, %get3A_6] : memref<2x1000x128xf32, #tpu.memory_space<vmem>>, vector<1x1000x128xf32>
    %get3A_8 = vector.shape_cast %get3A_7 : vector<1x1000x128xf32> to vector<1000x128xf32>
    %add3A = arith.addf %get3A_3, %get3A_8 : vector<1000x128xf32>
    %get3A_9 = arith.constant 0 : index
    %get3A_10 = arith.constant 0 : index
    %get3A_11 = arith.constant 0 : index
    %get3A_12 = vector.load %arg2[%get3A_9, %get3A_10, %get3A_11] : memref<2x1000x128xf32, #tpu.memory_space<vmem>>, vector<1x1000x1xf32>
    %get3A_13 = vector.shape_cast %get3A_12 : vector<1x1000x1xf32> to vector<1000x1xf32>
    %get3A_14 = arith.constant 1 : index
    %get3A_15 = arith.constant 0 : index
    %get3A_16 = arith.constant 0 : index
    %get3A_17 = vector.load %arg2[%get3A_14, %get3A_15, %get3A_16] : memref<2x1000x128xf32, #tpu.memory_space<vmem>>, vector<1x1000x1xf32>
    %get3A_18 = vector.shape_cast %get3A_17 : vector<1x1000x1xf32> to vector<1000x1xf32>
    %add3A_19 = arith.addf %get3A_13, %get3A_18 : vector<1000x1xf32>
    %max3A = arith.constant 1.000000e+00 : f32
    %max3A_20 = vector.broadcast %max3A : f32 to vector<1000x1xf32>
    %max3A_21 = arith.maximumf %add3A_19, %max3A_20 : vector<1000x1xf32>
    %div3A = vector.broadcast %max3A_21 : vector<1000x1xf32> to vector<1000x128xf32>
    %div3A_22 = arith.divf %add3A, %div3A : vector<1000x128xf32>
    %max3A_23 = arith.constant 0.000000e+00 : f32
    %max3A_24 = vector.broadcast %max3A_23 : f32 to vector<1000x128xf32>
    %max3A_25 = arith.maximumf %div3A_22, %max3A_24 : vector<1000x128xf32>
    %get3A_26 = arith.constant 0 : index
    %get3A_27 = arith.constant 0 : index
    %get3A_28 = vector.load %arg3[%get3A_26, %get3A_27] : memref<128x128xf32, #tpu.memory_space<vmem>>, vector<128x128xf32>
    %dot_general3A = arith.constant dense<0.000000e+00> : vector<1000x128xf32>
    %dot_general3A_29 = tpu.matmul %max3A_25, %get3A_28, %dot_general3A {dimension_numbers = #tpu.dot_dimension_numbers<[1], [0], [0], [1], [0, 0, 1, 1], [], []>, transpose_lhs_hint = false} : vector<1000x128xf32>, vector<128x128xf32>, vector<1000x128xf32> -> vector<1000x128xf32>
    %get3A_30 = arith.constant 0 : index
    %get3A_31 = arith.constant 0 : index
    %get3A_32 = vector.load %arg4[%get3A_30, %get3A_31] : memref<1x128xf32, #tpu.memory_space<vmem>>, vector<1x128xf32>
    %add3A_33 = vector.broadcast %get3A_32 : vector<1x128xf32> to vector<1000x128xf32>
    %add3A_34 = arith.addf %dot_general3A_29, %add3A_33 : vector<1000x128xf32>
    %swap3A = arith.constant 0 : index
    %swap3A_35 = arith.constant 0 : index
    %swap3A_36 = vector.load %arg5[%swap3A, %swap3A_35] : memref<1000x128xf32, #tpu.memory_space<vmem>>, vector<1000x128xf32>
    tpu.vector_store %arg5[%swap3A, %swap3A_35], %add3A_34 {strides = array<i32>} : memref<1000x128xf32, #tpu.memory_space<vmem>>, vector<1000x128xf32>,
    return
  }
  func.func @transform_0(%arg0: i32) -> (i32, i32, i32) {
    %c0_i32 = arith.constant 0 : i32
    %c0_i32_0 = arith.constant 0 : i32
    %c0_i32_1 = arith.constant 0 : i32
    return %c0_i32, %arg0, %c0_i32_0 : i32, i32, i32
  }
  func.func @transform_1(%arg0: i32) -> (i32, i32, i32) {
    %c0_i32 = arith.constant 0 : i32
    %c0_i32_0 = arith.constant 0 : i32
    %c0_i32_1 = arith.constant 0 : i32
    return %c0_i32, %arg0, %c0_i32_0 : i32, i32, i32
  }
  func.func @transform_2(%arg0: i32) -> (i32, i32) {
    %c0_i32 = arith.constant 0 : i32
    %c0_i32_0 = arith.constant 0 : i32
    %c0_i32_1 = arith.constant 0 : i32
    return %c0_i32, %c0_i32_0 : i32, i32
  }
  func.func @transform_3(%arg0: i32) -> (i32, i32) {
    %c0_i32 = arith.constant 0 : i32
    %c0_i32_0 = arith.constant 0 : i32
    %c0_i32_1 = arith.constant 0 : i32
    return %c0_i32, %c0_i32_0 : i32, i32
  }
  func.func @transform_4(%arg0: i32) -> (i32, i32) {
    %c0_i32 = arith.constant 0 : i32
    %c0_i32_0 = arith.constant 0 : i32
    return %arg0, %c0_i32 : i32, i32
  }
}

module attributes {stable_mosaic.version = 14 : i64} {
  func.func @_readout_body(%arg0: i32, %arg1: memref<2x1000x128xf32, #tpu.memory_space<vmem>>, %arg2: memref<2x1000x128xf32, #tpu.memory_space<vmem>>, %arg3: memref<1x1x1000xi32, #tpu.memory_space<vmem>>, %arg4: memref<128x128xf32, #tpu.memory_space<vmem>>, %arg5: memref<128x128xf32, #tpu.memory_space<vmem>>, %arg6: memref<128x128xf32, #tpu.memory_space<vmem>>) attributes {dimension_semantics = [#tpu.dimension_semantics<arbitrary>], iteration_bounds = array<i64: 10>, scalar_prefetch = 0 : i64, scratch_operands = 2 : i64, tpu.core_type = #tpu.core_type<tc>, window_params = [{transform_indices = @transform_0, window_bounds = array<i64: 2, 1000, 128>}, {transform_indices = @transform_1, window_bounds = array<i64: 2, 1000, 128>}, {transform_indices = @transform_2, window_bounds = array<i64: 1, 1, 1000>}, {pipeline_mode = #tpu.pipeline_mode<synchronous>, transform_indices = @transform_3, window_bounds = array<i64: 128, 128>}]} {
    %eq3A = arith.constant 0 : i32
    %eq3A_0 = arith.cmpi eq, %arg0, %eq3A : i32
    %convert_element_type3A = arith.extui %eq3A_0 : i1 to i32
    %cond3A = arith.constant 0 : i32
    %cond3A_1 = arith.cmpi ne, %convert_element_type3A, %cond3A : i32
    scf.if %cond3A_1 {
      %broadcast_in_dim3A_59 = arith.constant 0.000000e+00 : f32
      %broadcast_in_dim3A_60 = vector.broadcast %broadcast_in_dim3A_59 : f32 to vector<128x128xf32>
      %swap3A_61 = arith.constant 0 : index
      %swap3A_62 = arith.constant 0 : index
      %swap3A_63 = vector.load %arg5[%swap3A_61, %swap3A_62] : memref<128x128xf32, #tpu.memory_space<vmem>>, vector<128x128xf32>
      tpu.vector_store %arg5[%swap3A_61, %swap3A_62], %broadcast_in_dim3A_60 {strides = array<i32>} : memref<128x128xf32, #tpu.memory_space<vmem>>, vector<128x128xf32>,
      %broadcast_in_dim3A_64 = arith.constant 0.000000e+00 : f32
      %broadcast_in_dim3A_65 = vector.broadcast %broadcast_in_dim3A_64 : f32 to vector<128x128xf32>
      %swap3A_66 = arith.constant 0 : index
      %swap3A_67 = arith.constant 0 : index
      %swap3A_68 = vector.load %arg6[%swap3A_66, %swap3A_67] : memref<128x128xf32, #tpu.memory_space<vmem>>, vector<128x128xf32>
      tpu.vector_store %arg6[%swap3A_66, %swap3A_67], %broadcast_in_dim3A_65 {strides = array<i32>} : memref<128x128xf32, #tpu.memory_space<vmem>>, vector<128x128xf32>,
    } else {
    }
    %get3A = arith.constant 0 : index
    %get3A_2 = arith.constant 0 : index
    %get3A_3 = arith.constant 0 : index
    %get3A_4 = vector.load %arg1[%get3A, %get3A_2, %get3A_3] : memref<2x1000x128xf32, #tpu.memory_space<vmem>>, vector<1x1000x128xf32>
    %get3A_5 = vector.shape_cast %get3A_4 : vector<1x1000x128xf32> to vector<1000x128xf32>
    %get3A_6 = arith.constant 1 : index
    %get3A_7 = arith.constant 0 : index
    %get3A_8 = arith.constant 0 : index
    %get3A_9 = vector.load %arg1[%get3A_6, %get3A_7, %get3A_8] : memref<2x1000x128xf32, #tpu.memory_space<vmem>>, vector<1x1000x128xf32>
    %get3A_10 = vector.shape_cast %get3A_9 : vector<1x1000x128xf32> to vector<1000x128xf32>
    %add3A = arith.addf %get3A_5, %get3A_10 : vector<1000x128xf32>
    %get3A_11 = arith.constant 0 : index
    %get3A_12 = arith.constant 0 : index
    %get3A_13 = arith.constant 0 : index
    %get3A_14 = vector.load %arg2[%get3A_11, %get3A_12, %get3A_13] : memref<2x1000x128xf32, #tpu.memory_space<vmem>>, vector<1x1000x1xf32>
    %get3A_15 = vector.shape_cast %get3A_14 : vector<1x1000x1xf32> to vector<1000x1xf32>
    %get3A_16 = arith.constant 1 : index
    %get3A_17 = arith.constant 0 : index
    %get3A_18 = arith.constant 0 : index
    %get3A_19 = vector.load %arg2[%get3A_16, %get3A_17, %get3A_18] : memref<2x1000x128xf32, #tpu.memory_space<vmem>>, vector<1x1000x1xf32>
    %get3A_20 = vector.shape_cast %get3A_19 : vector<1x1000x1xf32> to vector<1000x1xf32>
    %add3A_21 = arith.addf %get3A_15, %get3A_20 : vector<1000x1xf32>
    %max3A = arith.constant 1.000000e+00 : f32
    %max3A_22 = vector.broadcast %max3A : f32 to vector<1000x1xf32>
    %max3A_23 = arith.maximumf %add3A_21, %max3A_22 : vector<1000x1xf32>
    %div3A = vector.broadcast %max3A_23 : vector<1000x1xf32> to vector<1000x128xf32>
    %div3A_24 = arith.divf %add3A, %div3A : vector<1000x128xf32>
    %max3A_25 = arith.constant 0.000000e+00 : f32
    %max3A_26 = vector.broadcast %max3A_25 : f32 to vector<1000x128xf32>
    %max3A_27 = arith.maximumf %div3A_24, %max3A_26 : vector<1000x128xf32>
    %get3A_28 = arith.constant 0 : index
    %get3A_29 = arith.constant 0 : index
    %get3A_30 = arith.constant 0 : index
    %get3A_31 = vector.load %arg3[%get3A_28, %get3A_29, %get3A_30] : memref<1x1x1000xi32, #tpu.memory_space<vmem>>, vector<1x1x1000xi32>
    %get3A_32 = vector.shape_cast %get3A_31 : vector<1x1x1000xi32> to vector<1x1000xi32>
    %iota3A = tpu.iota {dimensions = array<i32: 0>} : vector<128x1000xi32>
    %eq3A_33 = vector.broadcast %get3A_32 : vector<1x1000xi32> to vector<128x1000xi32>
    %eq3A_34 = arith.cmpi eq, %iota3A, %eq3A_33 : vector<128x1000xi32>
    %convert_element_type3A_35 = arith.extui %eq3A_34 : vector<128x1000xi1> to vector<128x1000xi32>
    %convert_element_type3A_36 = arith.sitofp %convert_element_type3A_35 : vector<128x1000xi32> to vector<128x1000xf32>
    %get3A_37 = arith.constant 0 : index
    %get3A_38 = arith.constant 0 : index
    %get3A_39 = vector.load %arg5[%get3A_37, %get3A_38] : memref<128x128xf32, #tpu.memory_space<vmem>>, vector<128x128xf32>
    %dot_general3A = arith.constant dense<0.000000e+00> : vector<128x128xf32>
    %dot_general3A_40 = tpu.matmul %convert_element_type3A_36, %max3A_27, %dot_general3A {dimension_numbers = #tpu.dot_dimension_numbers<[1], [0], [0], [1], [0, 0, 1, 1], [], []>, transpose_lhs_hint = false} : vector<128x1000xf32>, vector<1000x128xf32>, vector<128x128xf32> -> vector<128x128xf32>
    %add3A_41 = arith.addf %get3A_39, %dot_general3A_40 : vector<128x128xf32>
    %swap3A = arith.constant 0 : index
    %swap3A_42 = arith.constant 0 : index
    %swap3A_43 = vector.load %arg5[%swap3A, %swap3A_42] : memref<128x128xf32, #tpu.memory_space<vmem>>, vector<128x128xf32>
    tpu.vector_store %arg5[%swap3A, %swap3A_42], %add3A_41 {strides = array<i32>} : memref<128x128xf32, #tpu.memory_space<vmem>>, vector<128x128xf32>,
    %get3A_44 = arith.constant 0 : index
    %get3A_45 = arith.constant 0 : index
    %get3A_46 = vector.load %arg6[%get3A_44, %get3A_45] : memref<128x128xf32, #tpu.memory_space<vmem>>, vector<128x128xf32>
    %broadcast_in_dim3A = arith.constant 1.000000e+00 : f32
    %broadcast_in_dim3A_47 = vector.broadcast %broadcast_in_dim3A : f32 to vector<1000x128xf32>
    %dot_general3A_48 = arith.constant dense<0.000000e+00> : vector<128x128xf32>
    %dot_general3A_49 = tpu.matmul %convert_element_type3A_36, %broadcast_in_dim3A_47, %dot_general3A_48 {dimension_numbers = #tpu.dot_dimension_numbers<[1], [0], [0], [1], [0, 0, 1, 1], [], []>, transpose_lhs_hint = false} : vector<128x1000xf32>, vector<1000x128xf32>, vector<128x128xf32> -> vector<128x128xf32>
    %add3A_50 = arith.addf %get3A_46, %dot_general3A_49 : vector<128x128xf32>
    %swap3A_51 = arith.constant 0 : index
    %swap3A_52 = arith.constant 0 : index
    %swap3A_53 = vector.load %arg6[%swap3A_51, %swap3A_52] : memref<128x128xf32, #tpu.memory_space<vmem>>, vector<128x128xf32>
    tpu.vector_store %arg6[%swap3A_51, %swap3A_52], %add3A_50 {strides = array<i32>} : memref<128x128xf32, #tpu.memory_space<vmem>>, vector<128x128xf32>,
    %eq3A_54 = arith.constant 9 : i32
    %eq3A_55 = arith.cmpi eq, %arg0, %eq3A_54 : i32
    %convert_element_type3A_56 = arith.extui %eq3A_55 : i1 to i32
    %cond3A_57 = arith.constant 0 : i32
    %cond3A_58 = arith.cmpi ne, %convert_element_type3A_56, %cond3A_57 : i32
    scf.if %cond3A_58 {
      %get3A_59 = arith.constant 0 : index
      %get3A_60 = arith.constant 0 : index
      %get3A_61 = vector.load %arg5[%get3A_59, %get3A_60] : memref<128x128xf32, #tpu.memory_space<vmem>>, vector<128x128xf32>
      %get3A_62 = arith.constant 0 : index
      %get3A_63 = arith.constant 0 : index
      %get3A_64 = vector.load %arg6[%get3A_62, %get3A_63] : memref<128x128xf32, #tpu.memory_space<vmem>>, vector<128x128xf32>
      %max3A_65 = arith.constant 1.000000e+00 : f32
      %max3A_66 = vector.broadcast %max3A_65 : f32 to vector<128x128xf32>
      %max3A_67 = arith.maximumf %get3A_64, %max3A_66 : vector<128x128xf32>
      %div3A_68 = arith.divf %get3A_61, %max3A_67 : vector<128x128xf32>
      %swap3A_69 = arith.constant 0 : index
      %swap3A_70 = arith.constant 0 : index
      %swap3A_71 = vector.load %arg4[%swap3A_69, %swap3A_70] : memref<128x128xf32, #tpu.memory_space<vmem>>, vector<128x128xf32>
      tpu.vector_store %arg4[%swap3A_69, %swap3A_70], %div3A_68 {strides = array<i32>} : memref<128x128xf32, #tpu.memory_space<vmem>>, vector<128x128xf32>,
    } else {
    }
    return
  }
  func.func @transform_0(%arg0: i32) -> (i32, i32, i32) {
    %c0_i32 = arith.constant 0 : i32
    %c0_i32_0 = arith.constant 0 : i32
    %c0_i32_1 = arith.constant 0 : i32
    return %c0_i32, %arg0, %c0_i32_0 : i32, i32, i32
  }
  func.func @transform_1(%arg0: i32) -> (i32, i32, i32) {
    %c0_i32 = arith.constant 0 : i32
    %c0_i32_0 = arith.constant 0 : i32
    %c0_i32_1 = arith.constant 0 : i32
    return %c0_i32, %arg0, %c0_i32_0 : i32, i32, i32
  }
  func.func @transform_2(%arg0: i32) -> (i32, i32, i32) {
    %c0_i32 = arith.constant 0 : i32
    %c0_i32_0 = arith.constant 0 : i32
    %c0_i32_1 = arith.constant 0 : i32
    return %arg0, %c0_i32, %c0_i32_0 : i32, i32, i32
  }
  func.func @transform_3(%arg0: i32) -> (i32, i32) {
    %c0_i32 = arith.constant 0 : i32
    %c0_i32_0 = arith.constant 0 : i32
    %c0_i32_1 = arith.constant 0 : i32
    return %c0_i32, %c0_i32_0 : i32, i32
  }
}

</mosaic_0001>

<sc_bundles>
// kernel: kernel.11.cloned.1.call-start
scs
__scs_entry_jumppad:
0x0: {  	(pc) =	sbr.rel $0x88, $3  }
0x1: {  	(tag) =	ssettag $0x0;
	lr =	simm.s32 $0x1  }
0x2: {  	[smem:$0x3F9A] =	sst lr;
	_ =	strace $0xD0000000  }
0x3: {  	_ = 	snop  }
0x4: {  	_ = 	snop  }
0x5: {  	_ = 	snop  }
0x6: {  	_ = 	snop  }
0x7: {  	_ = 	snop  }
__scs_overlays_trampoline_lowered:
0x8: {  	[smem:$0x3FA9] =	sst s0  }
0x9: {  	[smem:$0x3FAA] =	sst s1  }
0xa: {  	[smem:$0x3FAB] =	sst s2  }
0xb: {  	[smem:$0x3FAC] =	sst s3  }
0xc: {  	[smem:$0x3FAD] =	sst s4  }
0xd: {  	[smem:$0x3FAE] =	sst s5  }
0xe: {  	[smem:$0x3FAF] =	sst s6  }
0xf: {  	[smem:$0x3FB0] =	sst s7  }
0x10: {  	[smem:$0x3FB1] =	sst s8  }
0x11: {  	[smem:$0x3FB2] =	sst s9;
	s0 =	simm.s32 @!p0 $0x0  }
0x12: {  	s1 =	sld [smem:$0x3F98];
	s0 =	simm.s32 @p0 $0x1  }
0x13: {  	[smem:$0x3FB3] =	sst s0;
	s0 =	simm.s32 @!p1 $0x0  }
0x14: {  	s2 =	sld [smem:$0x3F97];
	s0 =	simm.s32 @p1 $0x1  }
0x15: {  	[smem:$0x3FB4] =	sst s0;
	s0 =	simm.s32 @!p2 $0x0  }
0x16: {  	s3 =	sld [smem:$0x3FDB];
	s0 =	simm.s32 @p2 $0x1  }
0x17: {  	s4 =	simm.s32 $0x1BF5;
	[smem:$0x3FB6] =	sst s0  }
0x18: {  	s0 =	sld [smem:$0x3F99];
	_ =	swait.ge [sflag:s4], $0x0  }
0x19: {  	s7 =	sld [smem:$0x3F9A]  }
0x1a: {  	s8 =	sadd.s32 $0xFFFFE003, lr  }
0x1b: {  	s9 =	sadd.s32 $0xFFFFFEF7, lr;
	s5 =	simm.s32 $0xFFFFFFFF;
	p2 =	slt.u32 s8, $0xFFFFF086  }
0x1c: {  	p1 =	slt.u32 s9, $0xF7A;
	s5 =	simm.s32 @!p2 $0x0  }
0x1d: {  	s5 =	simm.s32 @p1 $0x1;
	p0 =	seq.s32 s7, s2  }
0x1e: {  	s7 =	smul.u32 @!p0 $0xF7A, s2;
	p2 =	seq.s32 @!p0 s5, $0x0  }
0x1f: {  	s9 =	smul.u32 $0xF7A, s1;
	s8 =	simm.s32 @!p0 $0x1BF5;
	p2 =	por !p2, p0  }
0x20: {  	[sflag:s8] =	ssyncset.s32 @!p0 $0xFFFFF086;
	s6 =	sadd.s32 @!p0 s3, s7;
	s7 =	simm.s32 @!p0 $0x108  }
0x21: {  	s3 =	sadd.s32 s3, s9;
	s6 =	sadd.s32 @!p0 $0x88, s6;
	s7 =	simm.s32 @p2 $0x1082  }
0x22: {  	[simem:s7], [sflag:s8] =	dma.local @!p0 [hbm:s6], $0xF7A  }
0x23: {  	s9 =	sor.u32 $0xD0000000, s2;
	s6 =	simm.s32 $0x108;
	_ =	swait.ge @!p0 [sflag:s8], $0x0  }
0x24: {  	s3 =	sadd.s32 $0x88, s3;
	s6 =	simm.s32 @!p1 $0x1082;
	[sflag:s4] =	ssyncset.s32 $0xFFFFF086  }
0x25: {  	[simem:s6], [sflag:s4] =	dma.local [hbm:s3], $0xF7A  }
0x26: {  	[smem:$0x3F9A] =	sst s1;
	(tag) =	ssettag s2;
	_ =	strace s9  }
0x27: {  	s1 =	sld [smem:$0x3FAA]  }
0x28: {  	s2 =	sld [smem:$0x3FAB]  }
0x29: {  	s4 =	sld [smem:$0x3FAD]  }
0x2a: {  	p0 =	seq.s32 s5, $0x0;
	s5 =	sld [smem:$0x3FAE]  }
0x2b: {  	s6 =	sld [smem:$0x3FAF]  }
0x2c: {  	s7 =	sld [smem:$0x3FB0]  }
0x2d: {  	s3 =	simm.s32 $0x108;
	s8 =	sld [smem:$0x3FB1]  }
0x2e: {  	s3 =	simm.s32 @!p0 $0x1082;
	s9 =	sld [smem:$0x3FB2]  }
0x2f: {  	lr =	sadd.s32 s0, s3;
	s0 =	sld [smem:$0x3FA9]  }
0x30: {  	s3 =	sld [smem:$0x3FAC]  }
0x31: {  	[smem:$0x3FB5] =	sst s10  }
0x32: {  	s10 =	sld [smem:$0x3FB3];
	_ =	sdelay $0x3  }
0x33: {  	p0 =	seq.s32 s10, $0x1;
	s10 =	sld [smem:$0x3FB5];
	_ =	sdelay $0x3  }
0x34: {  	[smem:$0x3FB5] =	sst s10  }
0x35: {  	s10 =	sld [smem:$0x3FB4];
	_ =	sdelay $0x3  }
0x36: {  	p1 =	seq.s32 s10, $0x1;
	s10 =	sld [smem:$0x3FB5];
	_ =	sdelay $0x3  }
0x37: {  	[smem:$0x3FB5] =	sst s10  }
0x38: {  	s10 =	sld [smem:$0x3FB6]  }
0x39: {  	_ = 	snop;
	(pc) =	sbr.ind lr, $3  }
0x3a: {  	_ = 	snop  }
0x3b: {  	_ = 	snop  }
0x3c: {  	p2 =	seq.s32 s10, $0x1;
	s10 =	sld [smem:$0x3FB5]  }
0x3d: {  	_ =	shalt  }
0x3e: {  	_ =	shalt  }
0x3f: {  	_ =	shalt  }
0x40: {  	_ =	shalt  }
0x41: {  	_ =	shalt  }
0x42: {  	_ =	shalt  }
0x43: {  	_ =	shalt  }
0x44: {  	_ =	shalt  }
0x45: {  	_ =	shalt  }
0x46: {  	_ =	shalt  }
0x47: {  	_ =	shalt  }
0x48: {  	_ =	shalt  }
0x49: {  	_ =	shalt  }
0x4a: {  	_ =	shalt  }
0x4b: {  	_ =	shalt  }
0x4c: {  	_ =	shalt  }
0x4d: {  	_ =	shalt  }
0x4e: {  	_ =	shalt  }
0x4f: {  	_ =	shalt  }
0x50: {  	_ =	shalt  }
0x51: {  	_ =	shalt  }
0x52: {  	_ =	shalt  }
0x53: {  	_ =	shalt  }
0x54: {  	_ =	shalt  }
0x55: {  	_ =	shalt  }
0x56: {  	_ =	shalt  }
0x57: {  	_ =	shalt  }
0x58: {  	_ =	shalt  }
0x59: {  	_ =	shalt  }
0x5a: {  	_ =	shalt  }
0x5b: {  	_ =	shalt  }
0x5c: {  	_ =	shalt  }
0x5d: {  	_ =	shalt  }
0x5e: {  	_ =	shalt  }
0x5f: {  	_ =	shalt  }
0x60: {  	_ =	shalt  }
0x61: {  	_ =	shalt  }
0x62: {  	_ =	shalt  }
0x63: {  	_ =	shalt  }
0x64: {  	_ =	shalt  }
0x65: {  	_ =	shalt  }
0x66: {  	_ =	shalt  }
0x67: {  	_ =	shalt  }
0x68: {  	_ =	shalt  }
0x69: {  	_ =	shalt  }
0x6a: {  	_ =	shalt  }
0x6b: {  	_ =	shalt  }
0x6c: {  	_ =	shalt  }
0x6d: {  	_ =	shalt  }
0x6e: {  	_ =	shalt  }
0x6f: {  	_ =	shalt  }
0x70: {  	_ =	shalt  }
0x71: {  	_ =	shalt  }
0x72: {  	_ =	shalt  }
0x73: {  	_ =	shalt  }
0x74: {  	_ =	shalt  }
0x75: {  	_ =	shalt  }
0x76: {  	_ =	shalt  }
0x77: {  	_ =	shalt  }
0x78: {  	_ =	shalt  }
0x79: {  	_ =	shalt  }
0x7a: {  	_ =	shalt  }
0x7b: {  	_ =	shalt  }
0x7c: {  	_ =	shalt  }
0x7d: {  	_ =	shalt  }
0x7e: {  	_ =	shalt  }
0x7f: {  	_ =	shalt  }
0x80: {  	_ =	shalt  }
0x81: {  	_ =	shalt  }
0x82: {  	_ =	shalt  }
0x83: {  	_ =	shalt  }
0x84: {  	_ =	shalt  }
0x85: {  	_ =	shalt  }
0x86: {  	_ =	shalt  }
0x87: {  	_ =	shalt  }
.Lfunc_end0:
.L_simem_size_0:
called_computation.1_lowered:
.L_overlay_start_0:
0x88: {  	s2 =	sld [smem:$0x3FD9]  }
0x89: {  	s3 =	sld [smem:$0x3FFE];
	_ =	sdelay $0x1  }
0x8a: {  	s1 =	srdreg.scid  }
0x8b: {  	s0 =	sand.u32 $0x1, s1  }
0x8c: {  	s17 =	sshll.u32 s0, $0xA;
	s2 =	sadd.s32 s3, s2  }
0x8d: {  	s2 =	sadd.s32 s2, s17  }
0x8e: {  	[smem:$0x3FC1] =	sst s2  }
0x8f: {  	_ = 	snop  }
0x90: {  	s2 =	sld [smem:$0x3FD0];
	(tm) =	ssettm $0x1  }
0x91: {  	s18 =	sld [smem:$0x3FFB];
	_ =	sdelay $0x3  }
0x92: {  	_ =	strace s18  }
0x93: {  	s3 =	sld [smem:$0x3FFC];
	_ =	sdelay $0x3  }
0x94: {  	_ =	strace s3  }
0x95: {  	s3 =	sld [smem:$0x3FFD];
	_ =	sdelay $0x3  }
0x96: {  	_ =	strace s3  }
0x97: {  	_ =	strace $0x8FFFFFFF  }
0x98: {  	s19 =	sld [smem:$0x3FDB];
	_ =	sdelay $0x1  }
0x99: {  	s4 =	simm.s32 $_scs_section_size  }
0x9a: {  	s5 =	simm.s32 $_size__tile_overlayer_lowered;
	s6 =	simm.s32 $_tile_overlayer_lowered  }
0x9b: {  	s22 =	simm.s32 $0x1BFF;
	s21 =	sshll.u32 s6, $0x1;
	s3 =	sadd.s32 s4, s19  }
0x9c: {  	s7 =	simm.s32 $0x0;
	s20 =	sshll.u32 s5, $0x1;
	s5 =	sadd.s32 s21, s3  }
0x9d: {  	[timem:s7], [sflag:s22] =	dma.local [hbm:s5], s20  }
0x9e: {  	_ =	swait.ge [sflag:s22], s20  }
0x9f: {  	s4 =	ssub.s32 $0x0, s20;
	[sflag:s22] =	ssyncset.done $0x0  }
0xa0: {  	[sflag:s22] =	ssyncadd.s32 s4;
	_ =	sdelay $0x1  }
0xa1: {  	s23 =	simm.s32 $0x1B8B  }
0xa2: {  	_ =	swait.ge [sflag:s23], $0x1  }
0xa3: {  	[sflag:s23] =	ssyncset.done $0x0  }
0xa4: {  	s25 =	simm.s32 $0x1B8E;
	s24 =	sld [smem:$0x3FFE];
	[sflag:s23] =	ssyncadd.s32 $0xFFFFFFFF  }
0xa5: {  	s26 =	simm.s32 $execute0_lowered;
	[smem:$0x3FD2] =	sst s25  }
0xa6: {  	s5 =	sshll.u32 s26, $0x1;
	_ =	strace $0x80000046;
	[dreg:$0x1] =	wrdreg $0xFFFFFFFF  }
0xa7: {  	s28 =	simm.s32 $_size_execute0_lowered;
	s3 =	sadd.s32 s3, s5;
	[dreg:$0x0] =	wrdreg $0x0  }
0xa8: {  	s5 =	sshll.u32 s28, $0x1;
	[dreg:$0x2] =	wrdreg s3  }
0xa9: {  	[dreg:$0x3] =	wrdreg s5  }
0xaa: {  	[dreg:$0x4] =	wrdreg $0xC0  }
0xab: {  	_ =	task [dreg:s7], $0x5FFFF  }
0xac: {  	[dreg:$0x1] =	wrdreg $0xFFFFFFFF  }
0xad: {  	[dreg:$0x0] =	wrdreg $0x60  }
0xae: {  	[dreg:$0x2] =	wrdreg s24  }
0xaf: {  	[dreg:$0x3] =	wrdreg s2  }
0xb0: {  	[dreg:$0x4] =	wrdreg $0x41000  }
0xb1: {  	[dreg:$0x5] =	wrdreg $0xA  }
0xb2: {  	_ =	task.clear_ibuf [dreg:s7], $0x6FFFF;
	_ =	strace $0x90000046  }
0xb3: {  	s29 =	simm.s32 $0xA;
	_ =	strace $0x80000048  }
0xb4: {  	_ =	swait.ge [sflag:s29], $0x1  }
0xb5: {  	[sflag:s29] =	ssyncadd.s32 $0xFFFFFFFF  }
0xb6: {  	_ =	strace $0x90000048  }
0xb7: {  	_ =	sfence  }
0xb8: {  	s30 =	sld [smem:$0x0];
	_ =	sdelay $0x2  }
0xb9: {  	s31 =	sshll.u32 s1, $0xD;
	s1 =	sshrl.u32 s1, $0x2  }
0xba: {  	s3 =	sand.u32 $0x4000, s31;
	s1 =	sadd.s32 s1, s30  }
0xbb: {  	s0 =	sor.u32 s3, s0;
	s1 =	sshll.u32 s1, $0x11  }
0xbc: {  	s0 =	sor.u32 s1, s0  }
0xbd: {  	s0 =	sadd.s32 $0x8F2B, s0  }
0xbe: {  	[sflag:s0] =	ssyncadd.remote.s32 $0x1  }
0xbf: {  	_ =	sfence.sel $0xFFFF  }
0xc0: {  	[dreg:$0x0] =	wrdreg $0xFFFFFFFF;
	(pc) =	sbr.abs _section_cstart, $3  }
0xc1: {  	[dreg:$0x1] =	wrdreg $0xFFFFFFFF  }
0xc2: {  	_ =	task.clear_ibuf [dreg:s7], $0x2FFFF;
	_ =	strace $0x9FFFFFFF  }
0xc3: {  	(tm) =	ssettm $0x7FFFFFFF  }
tec
execute0_lowered:
.L_overlay_start_1:
0x0: {  	(tag) =	ssettag $0x1  }
0x1: {  	s6 =	rddreg [dreg:$0x0]  }
0x2: {  	s1 =	rddreg [dreg:$0x1]  }
0x3: {  	s2 =	rddreg [dreg:$0x2]  }
0x4: {  	s0 =	rddreg [dreg:$0x3];
	s4 =	simm.s32 $0x0;
	s3 =	stileid.u32  }
0x5: {  	s7 =	srdreg.scid;
	[smem:$0x7FF] =	sst s4;
	s5 =	sadd.s32 $0x15E00, s6  }
0x6: {  	s11 =	sand.u32 $0x1, s7;
	s12 =	smul.u32 $0x280, s3;
	s19 =	sshll.u32 s3, $0x5  }
0x7: {  	s9 =	smul.u32 $0x50000, s3;
	s15 =	sadd.s32 $0x3D000, s6;
	s8 =	ssub.s32 $0x2, s11  }
0x8: {  	_ =	strace $0x80000047;
	s16 =	sadd.s32 s19, s6;
	s20 =	sshrl.u32 s8, $0x1  }
0x9: {  	s21 =	sshrl.u32 s9, $0x2;
	s13 =	sadd.s32 $0x80, s12;
	s14 =	sadd.s32 $0x100, s12  }
0xa: {  	s18 =	sadd.s32 $0x180, s12;
	s19 =	sadd.s32 $0x200, s12;
	s17 =	ssub.s32 s8, s20  }
0xb: {  	s6 =	sadd.s32 s21, s2;
	s22 =	sshll.u32 s13, $0x7;
	s23 =	sshll.u32 s14, $0x7  }
0xc: {  	s24 =	sshll.u32 s18, $0x7;
	s20 =	smul.u32 $0x2800, s11;
	s10 =	sshll.u32 s19, $0x7  }
0xd: {  	s21 =	sshll.u32 s11, $0x4;
	s7 =	sadd.s32 s22, s2;
	s8 =	sadd.s32 s23, s2  }
0xe: {  	s9 =	sadd.s32 s24, s2;
	s10 =	sadd.s32 s10, s2;
	s31 =	sadd.s32 s21, s16  }
0xf: {  	s16 =	smax.u32 s17, $0x1;
	s21 =	simm.s32 $0x0;
	s12 =	sadd.s32 s12, s20  }
0x10: {  	s13 =	sadd.s32 s20, s13;
	s28 =	sadd.s32 s20, s14;
	s29 =	sadd.s32 s20, s18  }
0x11: {  	s30 =	sadd.s32 s20, s19;
	s17 =	sadd.s32 $0xC000, s31;
	s19 =	simm.s32 $0x100  }
0x12: {  	s20 =	simm.s32 $0x2;
	s25 =	sshll.u32 s12, $0x4;
	s26 =	sshll.u32 s13, $0x4  }
0x13: {  	s13 =	sshll.u32 s28, $0x4;
	s14 =	sshll.u32 s29, $0x4;
	s18 =	sshll.u32 s30, $0x4  }
0x14: {  	s11 =	sadd.s32 s15, s25;
	s12 =	sadd.s32 s15, s26;
	s13 =	sadd.s32 s15, s13  }
0x15: {  	s14 =	sadd.s32 s15, s14;
	s15 =	sadd.s32 s15, s18;
	s18 =	sadd.s32 $0x2200, s31  }
.LBB2_1:
0x16: {  	[tilespmem:s19], [sflag:$0x2] =	stream.linear.gather [hbm4b:s1+s4], $0x4000, $0x38;
	[tilespmem:$0x18100] =	vst v63  }
0x17: {  	_ =	swait.ge [sflag:s20], $0x4000  }
0x18: {  	[sflag:s20] =	ssyncset.done $0x0  }
0x19: {  	[sflag:s20] =	ssyncadd.s32 $0xFFFFC000  }
0x1a: {  	[spmem:s6] =	stream.linear.scatter [tilespmem:s19], [sflag:$0x2], $0x4000, $0x38;
	[tilespmem:$0x18100] =	vst v63  }
0x1b: {  	_ =	swait.ge [sflag:s20], $0x4000  }
0x1c: {  	[sflag:s20] =	ssyncset.done $0x0  }
0x1d: {  	[sflag:s20] =	ssyncadd.s32 $0xFFFFC000  }
0x1e: {  	[spmem:s7] =	stream.linear.scatter [tilespmem:s19], [sflag:$0x2], $0x4000, $0x38;
	[tilespmem:$0x18100] =	vst v63  }
0x1f: {  	_ =	swait.ge [sflag:s20], $0x4000  }
0x20: {  	[sflag:s20] =	ssyncset.done $0x0  }
0x21: {  	[sflag:s20] =	ssyncadd.s32 $0xFFFFC000  }
0x22: {  	[spmem:s8] =	stream.linear.scatter [tilespmem:s19], [sflag:$0x2], $0x4000, $0x38;
	[tilespmem:$0x18100] =	vst v63  }
0x23: {  	_ =	swait.ge [sflag:s20], $0x4000  }
0x24: {  	[sflag:s20] =	ssyncset.done $0x0  }
0x25: {  	[sflag:s20] =	ssyncadd.s32 $0xFFFFC000  }
0x26: {  	[spmem:s9] =	stream.linear.scatter [tilespmem:s19], [sflag:$0x2], $0x4000, $0x38;
	[tilespmem:$0x18100] =	vst v63  }
0x27: {  	_ =	swait.ge [sflag:s20], $0x4000  }
0x28: {  	[sflag:s20] =	ssyncset.done $0x0  }
0x29: {  	[sflag:s20] =	ssyncadd.s32 $0xFFFFC000  }
0x2a: {  	[spmem:s10] =	stream.linear.scatter [tilespmem:s19], [sflag:$0x2], $0x4000, $0x38;
	[tilespmem:$0x18100] =	vst v63  }
0x2b: {  	_ =	swait.ge [sflag:s20], $0x4000  }
0x2c: {  	p0 =	sgt.u32 s3, $0x4E1;
	[sflag:s20] =	ssyncset.done $0x0  }
0x2d: {  	s22 =	sadd.s32 @!p0 $0x0, s17;
	[sflag:s20] =	ssyncadd.s32 $0xFFFFC000  }
0x2e: {  	s23 =	simm.s32 @!p0 $0x0;
	s24 =	simm.s32 @!p0 $0x3;
	[bflag:$0x0] =	sbarrier.arrive $0xFFFF  }
0x2f: {  	[tilespmem:s23], [sflag:$0x3] =	stream.linear.gather @!p0 [hbm4b:s22+s23], $0x80, $0x38;
	[tilespmem:$0x18100] =	vst v63  }
0x30: {  	_ =	swait.ge @!p0 [sflag:s24], $0x80;
	p0 =	por p0, p0  }
0x31: {  	[sflag:s24] =	ssyncset.done @!p0 $0x0  }
0x32: {  	s22 =	sadd.s32 @!p0 $0x0, s18;
	s25 =	simm.s32 @!p0 $0x80;
	[sflag:s24] =	ssyncadd.s32 @!p0 $0xFFFFFF80  }
0x33: {  	[tilespmem:s25], [sflag:$0x3] =	stream.linear.gather @!p0 [hbm4b:s22+s23], $0x80, $0x38;
	[tilespmem:$0x18100] =	vst v63  }
0x34: {  	_ =	swait.ge @!p0 [sflag:s24], $0x80  }
0x35: {  	[sflag:s24] =	ssyncset.done @!p0 $0x0  }
0x36: {  	s22 =	simm.s32 @!p0 $0x100;
	[sflag:s24] =	ssyncadd.s32 @!p0 $0xFFFFFF80;
	s24 =	simm.s32 @!p0 $0x1  }
0x37: {  	[tilespmem:s22], [sflag:$0x1] =	stream.indirect.gather @!p0 [hbm4b:s5+s25], $0x80, s23, s25, $0xb8;
	[tilespmem:$0x18100] =	vst v63  }
0x38: {  	_ =	swait.ge @!p0 [sflag:s24], $0x4000  }
0x39: {  	[sflag:s24] =	ssyncset.done @!p0 $0x0  }
0x3a: {  	s23 =	sadd.s32 $0x10, s3;
	[sflag:s24] =	ssyncadd.s32 @!p0 $0xFFFFC000  }
0x3b: {  	[spmem:s2] =	stream.indirect.scatter.add.f32 @!p0 [tilespmem:s22], [sflag:$0x2], $0x80, s25, s25, $0xb8;
	[tilespmem:$0x18100] =	vst v63  }
0x3c: {  	p2 =	sgt.u32 s23, $0x4E1;
	s25 =	simm.s32 @!p0 $0x2  }
0x3d: {  	s24 =	simm.s32 $0x400;
	s22 =	simm.s32 $0x200;
	_ =	swait.ge @!p0 [sflag:s25], $0x4000  }
.LBB2_2:
0x3e: {  	s26 =	sadd.s32 @!p2 s22, s17  }
0x3f: {  	s28 =	simm.s32 @!p2 $0x0;
	[sflag:s25] =	ssyncset.done @!p0 $0x0;
	s29 =	smov.u32 s24  }
0x40: {  	s24 =	sadd.s32 $0x200, s24;
	s30 =	simm.s32 @!p2 $0x3;
	[sflag:s25] =	ssyncadd.s32 @!p0 $0xFFFFC000  }
0x41: {  	[tilespmem:s28], [sflag:$0x3] =	stream.linear.gather @!p2 [hbm4b:s26+s28], $0x80, $0x38;
	[tilespmem:$0x18100] =	vst v63  }
0x42: {  	p1 =	sne.s32 s24, $0x9E00;
	p0 =	por p2, p2;
	_ =	swait.ge @!p2 [sflag:s30], $0x80  }
0x43: {  	[sflag:s30] =	ssyncset.done @!p0 $0x0  }
0x44: {  	s22 =	sadd.s32 @!p0 s22, s18;
	s26 =	simm.s32 @!p0 $0x80;
	[sflag:s30] =	ssyncadd.s32 @!p0 $0xFFFFFF80  }
0x45: {  	[tilespmem:s26], [sflag:$0x3] =	stream.linear.gather @!p0 [hbm4b:s22+s28], $0x80, $0x38;
	[tilespmem:$0x18100] =	vst v63  }
0x46: {  	s22 =	smov.u32 s29;
	_ =	swait.ge @!p0 [sflag:s30], $0x80  }
0x47: {  	[sflag:s30] =	ssyncset.done @!p0 $0x0  }
0x48: {  	s25 =	simm.s32 @!p0 $0x1;
	s29 =	simm.s32 @!p0 $0x100;
	[sflag:s30] =	ssyncadd.s32 @!p0 $0xFFFFFF80  }
0x49: {  	[tilespmem:s29], [sflag:$0x1] =	stream.indirect.gather @!p0 [hbm4b:s5+s26], $0x80, s28, s26, $0xb8;
	[tilespmem:$0x18100] =	vst v63  }
.Ltmp0:
0x4a: {  	_ =	swait.ge @!p0 [sflag:s25], $0x4000;
	(pc) =	sbr.rel @p1 .LBB2_2-.Ltmp0, $4  }
0x4b: {  	[sflag:s25] =	ssyncset.done @!p0 $0x0  }
0x4c: {  	s23 =	sadd.s32 $0x10, s23;
	[sflag:s25] =	ssyncadd.s32 @!p0 $0xFFFFC000;
	s25 =	simm.s32 @!p0 $0x2  }
0x4d: {  	[spmem:s2] =	stream.indirect.scatter.add.f32 @!p0 [tilespmem:s29], [sflag:$0x2], $0x80, s26, s26, $0xb8;
	[tilespmem:$0x18100] =	vst v63  }
0x4e: {  	p2 =	sgt.u32 s23, $0x4E1;
	_ =	swait.ge @!p0 [sflag:s25], $0x4000  }
0x4f: {  	s23 =	sadd.s32 @!p2 s22, s17;
	[sflag:s25] =	ssyncset.done @!p0 $0x0  }
0x50: {  	s24 =	simm.s32 @!p2 $0x0;
	s26 =	simm.s32 @!p2 $0x3;
	[sflag:s25] =	ssyncadd.s32 @!p0 $0xFFFFC000  }
0x51: {  	[tilespmem:s24], [sflag:$0x3] =	stream.linear.gather @!p2 [hbm4b:s23+s24], $0x80, $0x38;
	[tilespmem:$0x18100] =	vst v63  }
0x52: {  	p0 =	por p2, p2;
	_ =	swait.ge @!p2 [sflag:s26], $0x80  }
0x53: {  	[sflag:s26] =	ssyncset.done @!p0 $0x0  }
0x54: {  	s22 =	sadd.s32 @!p0 s22, s18;
	s23 =	simm.s32 @!p0 $0x80;
	[sflag:s26] =	ssyncadd.s32 @!p0 $0xFFFFFF80  }
0x55: {  	[tilespmem:s23], [sflag:$0x3] =	stream.linear.gather @!p0 [hbm4b:s22+s24], $0x80, $0x38;
	[tilespmem:$0x18100] =	vst v63  }
0x56: {  	_ =	swait.ge @!p0 [sflag:s26], $0x80  }
0x57: {  	[sflag:s26] =	ssyncset.done @!p0 $0x0  }
0x58: {  	s25 =	simm.s32 @!p0 $0x1;
	s22 =	simm.s32 @!p0 $0x100;
	[sflag:s26] =	ssyncadd.s32 @!p0 $0xFFFFFF80  }
0x59: {  	[tilespmem:s22], [sflag:$0x1] =	stream.indirect.gather @!p0 [hbm4b:s5+s23], $0x80, s24, s23, $0xb8;
	[tilespmem:$0x18100] =	vst v63  }
0x5a: {  	_ =	swait.ge @!p0 [sflag:s25], $0x4000  }
0x5b: {  	[sflag:s25] =	ssyncset.done @!p0 $0x0  }
0x5c: {  	s24 =	simm.s32 @!p0 $0x2;
	[sflag:s25] =	ssyncadd.s32 @!p0 $0xFFFFC000  }
0x5d: {  	[spmem:s2] =	stream.indirect.scatter.add.f32 @!p0 [tilespmem:s22], [sflag:$0x2], $0x80, s23, s23, $0xb8;
	[tilespmem:$0x18100] =	vst v63  }
0x5e: {  	_ =	swait.ge @!p0 [sflag:s24], $0x4000  }
0x5f: {  	[sflag:s24] =	ssyncset.done @!p0 $0x0  }
0x60: {  	[sflag:s24] =	ssyncadd.s32 @!p0 $0xFFFFC000  }
0x61: {  	[bflag:$0x0] =	sbarrier.arrive $0xFFFF  }
0x62: {  	[tilespmem:s19], [sflag:$0x2] =	stream.linear.gather [spmem:s6], $0x4000, $0x38;
	[tilespmem:$0x18100] =	vst v63  }
0x63: {  	_ =	swait.ge [sflag:s20], $0x4000  }
0x64: {  	[sflag:s20] =	ssyncset.done $0x0  }
0x65: {  	[sflag:s20] =	ssyncadd.s32 $0xFFFFC000  }
0x66: {  	[hbm4b:s11+s4] =	stream.linear.scatter [tilespmem:s19], [sflag:$0x2], $0x4000, $0x38;
	[tilespmem:$0x18100] =	vst v63  }
0x67: {  	_ =	swait.ge [sflag:s20], $0x4000  }
0x68: {  	[sflag:s20] =	ssyncset.done $0x0  }
0x69: {  	[sflag:s20] =	ssyncadd.s32 $0xFFFFC000  }
0x6a: {  	[tilespmem:s19], [sflag:$0x2] =	stream.linear.gather [spmem:s7], $0x4000, $0x38;
	[tilespmem:$0x18100] =	vst v63  }
0x6b: {  	_ =	swait.ge [sflag:s20], $0x4000  }
0x6c: {  	[sflag:s20] =	ssyncset.done $0x0  }
0x6d: {  	[sflag:s20] =	ssyncadd.s32 $0xFFFFC000  }
0x6e: {  	[hbm4b:s12+s4] =	stream.linear.scatter [tilespmem:s19], [sflag:$0x2], $0x4000, $0x38;
	[tilespmem:$0x18100] =	vst v63  }
0x6f: {  	_ =	swait.ge [sflag:s20], $0x4000  }
0x70: {  	[sflag:s20] =	ssyncset.done $0x0  }
0x71: {  	[sflag:s20] =	ssyncadd.s32 $0xFFFFC000  }
0x72: {  	[tilespmem:s19], [sflag:$0x2] =	stream.linear.gather [spmem:s8], $0x4000, $0x38;
	[tilespmem:$0x18100] =	vst v63  }
0x73: {  	_ =	swait.ge [sflag:s20], $0x4000  }
0x74: {  	[sflag:s20] =	ssyncset.done $0x0  }
0x75: {  	[sflag:s20] =	ssyncadd.s32 $0xFFFFC000  }
0x76: {  	[hbm4b:s13+s4] =	stream.linear.scatter [tilespmem:s19], [sflag:$0x2], $0x4000, $0x38;
	[tilespmem:$0x18100] =	vst v63  }
0x77: {  	_ =	swait.ge [sflag:s20], $0x4000  }
0x78: {  	[sflag:s20] =	ssyncset.done $0x0  }
0x79: {  	[sflag:s20] =	ssyncadd.s32 $0xFFFFC000  }
0x7a: {  	[tilespmem:s19], [sflag:$0x2] =	stream.linear.gather [spmem:s9], $0x4000, $0x38;
	[tilespmem:$0x18100] =	vst v63  }
0x7b: {  	_ =	swait.ge [sflag:s20], $0x4000  }
0x7c: {  	[sflag:s20] =	ssyncset.done $0x0  }
0x7d: {  	[sflag:s20] =	ssyncadd.s32 $0xFFFFC000  }
0x7e: {  	[hbm4b:s14+s4] =	stream.linear.scatter [tilespmem:s19], [sflag:$0x2], $0x4000, $0x38;
	[tilespmem:$0x18100] =	vst v63  }
0x7f: {  	_ =	swait.ge [sflag:s20], $0x4000  }
0x80: {  	[sflag:s20] =	ssyncset.done $0x0  }
0x81: {  	[sflag:s20] =	ssyncadd.s32 $0xFFFFC000  }
0x82: {  	[tilespmem:s19], [sflag:$0x2] =	stream.linear.gather [spmem:s10], $0x4000, $0x38;
	[tilespmem:$0x18100] =	vst v63  }
0x83: {  	s21 =	sadd.s32 $0x1, s21;
	_ =	swait.ge [sflag:s20], $0x4000  }
0x84: {  	p0 =	sne.s32 s21, s16;
	[sflag:s20] =	ssyncset.done $0x0  }
.Ltmp1:
0x85: {  	[sflag:s20] =	ssyncadd.s32 $0xFFFFC000;
	(pc) =	sbr.rel @p0 .LBB2_1-.Ltmp1, $4  }
0x86: {  	[hbm4b:s15+s4] =	stream.linear.scatter [tilespmem:s19], [sflag:$0x2], $0x4000, $0x38;
	[tilespmem:$0x18100] =	vst v63  }
0x87: {  	_ =	swait.ge [sflag:s20], $0x4000  }
0x88: {  	[sflag:s20] =	ssyncset.done $0x0  }
0x89: {  	[sflag:s20] =	ssyncadd.s32 $0xFFFFC000  }
0x8a: {  	_ =	sfence.sel $0x180000  }
0x8b: {  	[bflag:$0x0] =	sbarrier.arrive $0xFFFF  }
0x8c: {  	p0 =	sne.s32 s3, $0x0;
	_ =	strace $0x90000047  }
0x8d: {  	s0 =	sadd.s32 @!p0 $0x100000, s0;
	[bflag:$0x2] =	sbarrier.arrive $0xFFFF  }
0x8e: {  	[sflag:s0] =	ssyncadd.tile.s32 @!p0 $0x1;
	_ =	shalt  }
.Lfunc_end2:
_tile_overlayer_lowered:
.L_overlay_start_2:
0x8f: {  	(tag) =	ssettag $0x2  }
0x90: {  	s0 =	rddreg [dreg:$0x0];
	s2 =	stileid.u32  }
0x91: {  	s1 =	rddreg [dreg:$0x1];
	p0 =	sne.s32 s2, $0x0  }
0x92: {  	s3 =	rddreg [dreg:$0x2];
	[bflag:$0x3] =	sbarrier.arrive $0xFFFF;
	s2 =	simm.s32 @!p0 $0x1C02  }
0x93: {  	[timem:s3], [sflag:s2] =	dma.local @!p0 [hbm:s0], s1  }
0x94: {  	s0 =	simm.s32 @!p0 $0x2  }
0x95: {  	_ =	swait.ge @!p0 [sflag:s0], s1  }
0x96: {  	s1 =	ssub.s32 @!p0 $0x0, s1;
	[sflag:s0] =	ssyncset.done @!p0 $0x0  }
0x97: {  	[sflag:s0] =	ssyncadd.s32 @!p0 s1  }
0x98: {  	[bflag:$0x3] =	sbarrier.arrive $0xFFFF  }
0x99: {  	_ =	shalt  }

// kernel: kernel.14.cloned.1.call-start
scs
__scs_entry_jumppad:
0x0: {  	(pc) =	sbr.rel $0x88, $3  }
0x1: {  	(tag) =	ssettag $0x0;
	lr =	simm.s32 $0x1  }
0x2: {  	[smem:$0x3F9A] =	sst lr;
	_ =	strace $0xD0000000  }
0x3: {  	_ = 	snop  }
0x4: {  	_ = 	snop  }
0x5: {  	_ = 	snop  }
0x6: {  	_ = 	snop  }
0x7: {  	_ = 	snop  }
__scs_overlays_trampoline_lowered:
0x8: {  	[smem:$0x3FA9] =	sst s0  }
0x9: {  	[smem:$0x3FAA] =	sst s1  }
0xa: {  	[smem:$0x3FAB] =	sst s2  }
0xb: {  	[smem:$0x3FAC] =	sst s3  }
0xc: {  	[smem:$0x3FAD] =	sst s4  }
0xd: {  	[smem:$0x3FAE] =	sst s5  }
0xe: {  	[smem:$0x3FAF] =	sst s6  }
0xf: {  	[smem:$0x3FB0] =	sst s7  }
0x10: {  	[smem:$0x3FB1] =	sst s8  }
0x11: {  	[smem:$0x3FB2] =	sst s9;
	s0 =	simm.s32 @!p0 $0x0  }
0x12: {  	s1 =	sld [smem:$0x3F98];
	s0 =	simm.s32 @p0 $0x1  }
0x13: {  	[smem:$0x3FB3] =	sst s0;
	s0 =	simm.s32 @!p1 $0x0  }
0x14: {  	s2 =	sld [smem:$0x3F97];
	s0 =	simm.s32 @p1 $0x1  }
0x15: {  	[smem:$0x3FB4] =	sst s0;
	s0 =	simm.s32 @!p2 $0x0  }
0x16: {  	s3 =	sld [smem:$0x3FDB];
	s0 =	simm.s32 @p2 $0x1  }
0x17: {  	s4 =	simm.s32 $0x1BF5;
	[smem:$0x3FB6] =	sst s0  }
0x18: {  	s0 =	sld [smem:$0x3F99];
	_ =	swait.ge [sflag:s4], $0x0  }
0x19: {  	s7 =	sld [smem:$0x3F9A]  }
0x1a: {  	s8 =	sadd.s32 $0xFFFFE003, lr  }
0x1b: {  	s9 =	sadd.s32 $0xFFFFFEF7, lr;
	s5 =	simm.s32 $0xFFFFFFFF;
	p2 =	slt.u32 s8, $0xFFFFF086  }
0x1c: {  	p1 =	slt.u32 s9, $0xF7A;
	s5 =	simm.s32 @!p2 $0x0  }
0x1d: {  	s5 =	simm.s32 @p1 $0x1;
	p0 =	seq.s32 s7, s2  }
0x1e: {  	s7 =	smul.u32 @!p0 $0xF7A, s2;
	p2 =	seq.s32 @!p0 s5, $0x0  }
0x1f: {  	s9 =	smul.u32 $0xF7A, s1;
	s8 =	simm.s32 @!p0 $0x1BF5;
	p2 =	por !p2, p0  }
0x20: {  	[sflag:s8] =	ssyncset.s32 @!p0 $0xFFFFF086;
	s6 =	sadd.s32 @!p0 s3, s7;
	s7 =	simm.s32 @!p0 $0x108  }
0x21: {  	s3 =	sadd.s32 s3, s9;
	s6 =	sadd.s32 @!p0 $0x88, s6;
	s7 =	simm.s32 @p2 $0x1082  }
0x22: {  	[simem:s7], [sflag:s8] =	dma.local @!p0 [hbm:s6], $0xF7A  }
0x23: {  	s9 =	sor.u32 $0xD0000000, s2;
	s6 =	simm.s32 $0x108;
	_ =	swait.ge @!p0 [sflag:s8], $0x0  }
0x24: {  	s3 =	sadd.s32 $0x88, s3;
	s6 =	simm.s32 @!p1 $0x1082;
	[sflag:s4] =	ssyncset.s32 $0xFFFFF086  }
0x25: {  	[simem:s6], [sflag:s4] =	dma.local [hbm:s3], $0xF7A  }
0x26: {  	[smem:$0x3F9A] =	sst s1;
	(tag) =	ssettag s2;
	_ =	strace s9  }
0x27: {  	s1 =	sld [smem:$0x3FAA]  }
0x28: {  	s2 =	sld [smem:$0x3FAB]  }
0x29: {  	s4 =	sld [smem:$0x3FAD]  }
0x2a: {  	p0 =	seq.s32 s5, $0x0;
	s5 =	sld [smem:$0x3FAE]  }
0x2b: {  	s6 =	sld [smem:$0x3FAF]  }
0x2c: {  	s7 =	sld [smem:$0x3FB0]  }
0x2d: {  	s3 =	simm.s32 $0x108;
	s8 =	sld [smem:$0x3FB1]  }
0x2e: {  	s3 =	simm.s32 @!p0 $0x1082;
	s9 =	sld [smem:$0x3FB2]  }
0x2f: {  	lr =	sadd.s32 s0, s3;
	s0 =	sld [smem:$0x3FA9]  }
0x30: {  	s3 =	sld [smem:$0x3FAC]  }
0x31: {  	[smem:$0x3FB5] =	sst s10  }
0x32: {  	s10 =	sld [smem:$0x3FB3];
	_ =	sdelay $0x3  }
0x33: {  	p0 =	seq.s32 s10, $0x1;
	s10 =	sld [smem:$0x3FB5];
	_ =	sdelay $0x3  }
0x34: {  	[smem:$0x3FB5] =	sst s10  }
0x35: {  	s10 =	sld [smem:$0x3FB4];
	_ =	sdelay $0x3  }
0x36: {  	p1 =	seq.s32 s10, $0x1;
	s10 =	sld [smem:$0x3FB5];
	_ =	sdelay $0x3  }
0x37: {  	[smem:$0x3FB5] =	sst s10  }
0x38: {  	s10 =	sld [smem:$0x3FB6]  }
0x39: {  	_ = 	snop;
	(pc) =	sbr.ind lr, $3  }
0x3a: {  	_ = 	snop  }
0x3b: {  	_ = 	snop  }
0x3c: {  	p2 =	seq.s32 s10, $0x1;
	s10 =	sld [smem:$0x3FB5]  }
0x3d: {  	_ =	shalt  }
0x3e: {  	_ =	shalt  }
0x3f: {  	_ =	shalt  }
0x40: {  	_ =	shalt  }
0x41: {  	_ =	shalt  }
0x42: {  	_ =	shalt  }
0x43: {  	_ =	shalt  }
0x44: {  	_ =	shalt  }
0x45: {  	_ =	shalt  }
0x46: {  	_ =	shalt  }
0x47: {  	_ =	shalt  }
0x48: {  	_ =	shalt  }
0x49: {  	_ =	shalt  }
0x4a: {  	_ =	shalt  }
0x4b: {  	_ =	shalt  }
0x4c: {  	_ =	shalt  }
0x4d: {  	_ =	shalt  }
0x4e: {  	_ =	shalt  }
0x4f: {  	_ =	shalt  }
0x50: {  	_ =	shalt  }
0x51: {  	_ =	shalt  }
0x52: {  	_ =	shalt  }
0x53: {  	_ =	shalt  }
0x54: {  	_ =	shalt  }
0x55: {  	_ =	shalt  }
0x56: {  	_ =	shalt  }
0x57: {  	_ =	shalt  }
0x58: {  	_ =	shalt  }
0x59: {  	_ =	shalt  }
0x5a: {  	_ =	shalt  }
0x5b: {  	_ =	shalt  }
0x5c: {  	_ =	shalt  }
0x5d: {  	_ =	shalt  }
0x5e: {  	_ =	shalt  }
0x5f: {  	_ =	shalt  }
0x60: {  	_ =	shalt  }
0x61: {  	_ =	shalt  }
0x62: {  	_ =	shalt  }
0x63: {  	_ =	shalt  }
0x64: {  	_ =	shalt  }
0x65: {  	_ =	shalt  }
0x66: {  	_ =	shalt  }
0x67: {  	_ =	shalt  }
0x68: {  	_ =	shalt  }
0x69: {  	_ =	shalt  }
0x6a: {  	_ =	shalt  }
0x6b: {  	_ =	shalt  }
0x6c: {  	_ =	shalt  }
0x6d: {  	_ =	shalt  }
0x6e: {  	_ =	shalt  }
0x6f: {  	_ =	shalt  }
0x70: {  	_ =	shalt  }
0x71: {  	_ =	shalt  }
0x72: {  	_ =	shalt  }
0x73: {  	_ =	shalt  }
0x74: {  	_ =	shalt  }
0x75: {  	_ =	shalt  }
0x76: {  	_ =	shalt  }
0x77: {  	_ =	shalt  }
0x78: {  	_ =	shalt  }
0x79: {  	_ =	shalt  }
0x7a: {  	_ =	shalt  }
0x7b: {  	_ =	shalt  }
0x7c: {  	_ =	shalt  }
0x7d: {  	_ =	shalt  }
0x7e: {  	_ =	shalt  }
0x7f: {  	_ =	shalt  }
0x80: {  	_ =	shalt  }
0x81: {  	_ =	shalt  }
0x82: {  	_ =	shalt  }
0x83: {  	_ =	shalt  }
0x84: {  	_ =	shalt  }
0x85: {  	_ =	shalt  }
0x86: {  	_ =	shalt  }
0x87: {  	_ =	shalt  }
.Lfunc_end0:
.L_simem_size_0:
called_computation.2_lowered:
.L_overlay_start_0:
0x88: {  	s2 =	sld [smem:$0x3FD9]  }
0x89: {  	s3 =	sld [smem:$0x3FFE];
	_ =	sdelay $0x1  }
0x8a: {  	s1 =	srdreg.scid  }
0x8b: {  	s0 =	sand.u32 $0x1, s1  }
0x8c: {  	s17 =	sshll.u32 s0, $0xA;
	s2 =	sadd.s32 s3, s2  }
0x8d: {  	s2 =	sadd.s32 s2, s17  }
0x8e: {  	[smem:$0x3FC1] =	sst s2  }
0x8f: {  	_ = 	snop  }
0x90: {  	s2 =	sld [smem:$0x3FD0];
	(tm) =	ssettm $0x1  }
0x91: {  	s18 =	sld [smem:$0x3FFB];
	_ =	sdelay $0x3  }
0x92: {  	_ =	strace s18  }
0x93: {  	s3 =	sld [smem:$0x3FFC];
	_ =	sdelay $0x3  }
0x94: {  	_ =	strace s3  }
0x95: {  	s3 =	sld [smem:$0x3FFD];
	_ =	sdelay $0x3  }
0x96: {  	_ =	strace s3  }
0x97: {  	_ =	strace $0x8FFFFFFF  }
0x98: {  	s19 =	sld [smem:$0x3FDB];
	_ =	sdelay $0x1  }
0x99: {  	s4 =	simm.s32 $_scs_section_size  }
0x9a: {  	s5 =	simm.s32 $_size__tile_overlayer_lowered;
	s6 =	simm.s32 $_tile_overlayer_lowered  }
0x9b: {  	s22 =	simm.s32 $0x1BFF;
	s21 =	sshll.u32 s6, $0x1;
	s3 =	sadd.s32 s4, s19  }
0x9c: {  	s7 =	simm.s32 $0x0;
	s20 =	sshll.u32 s5, $0x1;
	s5 =	sadd.s32 s21, s3  }
0x9d: {  	[timem:s7], [sflag:s22] =	dma.local [hbm:s5], s20  }
0x9e: {  	_ =	swait.ge [sflag:s22], s20  }
0x9f: {  	s4 =	ssub.s32 $0x0, s20;
	[sflag:s22] =	ssyncset.done $0x0  }
0xa0: {  	[sflag:s22] =	ssyncadd.s32 s4;
	_ =	sdelay $0x1  }
0xa1: {  	s23 =	simm.s32 $0x1B8B  }
0xa2: {  	_ =	swait.ge [sflag:s23], $0x1  }
0xa3: {  	[sflag:s23] =	ssyncset.done $0x0  }
0xa4: {  	s25 =	simm.s32 $0x1B8E;
	s24 =	sld [smem:$0x3FFE];
	[sflag:s23] =	ssyncadd.s32 $0xFFFFFFFF  }
0xa5: {  	s26 =	simm.s32 $execute0_lowered;
	[smem:$0x3FD2] =	sst s25  }
0xa6: {  	s5 =	sshll.u32 s26, $0x1;
	_ =	strace $0x8000004C;
	[dreg:$0x1] =	wrdreg $0xFFFFFFFF  }
0xa7: {  	s28 =	simm.s32 $_size_execute0_lowered;
	s3 =	sadd.s32 s3, s5;
	[dreg:$0x0] =	wrdreg $0x0  }
0xa8: {  	s5 =	sshll.u32 s28, $0x1;
	[dreg:$0x2] =	wrdreg s3  }
0xa9: {  	[dreg:$0x3] =	wrdreg s5  }
0xaa: {  	[dreg:$0x4] =	wrdreg $0xC0  }
0xab: {  	_ =	task [dreg:s7], $0x5FFFF  }
0xac: {  	[dreg:$0x1] =	wrdreg $0xFFFFFFFF  }
0xad: {  	[dreg:$0x0] =	wrdreg $0x60  }
0xae: {  	[dreg:$0x2] =	wrdreg s24  }
0xaf: {  	[dreg:$0x3] =	wrdreg s2  }
0xb0: {  	[dreg:$0x4] =	wrdreg $0x41000  }
0xb1: {  	[dreg:$0x5] =	wrdreg $0x9  }
0xb2: {  	_ =	task.clear_ibuf [dreg:s7], $0x6FFFF;
	_ =	strace $0x9000004C  }
0xb3: {  	s29 =	simm.s32 $0x9;
	_ =	strace $0x8000004E  }
0xb4: {  	_ =	swait.ge [sflag:s29], $0x1  }
0xb5: {  	[sflag:s29] =	ssyncadd.s32 $0xFFFFFFFF  }
0xb6: {  	_ =	strace $0x9000004E  }
0xb7: {  	_ =	sfence  }
0xb8: {  	s30 =	sld [smem:$0x0];
	_ =	sdelay $0x2  }
0xb9: {  	s31 =	sshll.u32 s1, $0xD;
	s1 =	sshrl.u32 s1, $0x2  }
0xba: {  	s3 =	sand.u32 $0x4000, s31;
	s1 =	sadd.s32 s1, s30  }
0xbb: {  	s0 =	sor.u32 s3, s0;
	s1 =	sshll.u32 s1, $0x11  }
0xbc: {  	s0 =	sor.u32 s1, s0  }
0xbd: {  	s0 =	sadd.s32 $0x8F2B, s0  }
0xbe: {  	[sflag:s0] =	ssyncadd.remote.s32 $0x1  }
0xbf: {  	_ =	sfence.sel $0xFFFF  }
0xc0: {  	[dreg:$0x0] =	wrdreg $0xFFFFFFFF;
	(pc) =	sbr.abs _section_cstart, $3  }
0xc1: {  	[dreg:$0x1] =	wrdreg $0xFFFFFFFF  }
0xc2: {  	_ =	task.clear_ibuf [dreg:s7], $0x2FFFF;
	_ =	strace $0x9FFFFFFF  }
0xc3: {  	(tm) =	ssettm $0x7FFFFFFF  }
tec
execute0_lowered:
.L_overlay_start_1:
0x0: {  	(tag) =	ssettag $0x1  }
0x1: {  	s6 =	rddreg [dreg:$0x0]  }
0x2: {  	s1 =	rddreg [dreg:$0x1]  }
0x3: {  	s2 =	rddreg [dreg:$0x2]  }
0x4: {  	s0 =	rddreg [dreg:$0x3];
	s4 =	simm.s32 $0x0;
	s3 =	stileid.u32  }
0x5: {  	s7 =	srdreg.scid;
	[smem:$0x7FF] =	sst s4;
	s5 =	sadd.s32 $0x15E00, s6  }
0x6: {  	s11 =	sand.u32 $0x1, s7;
	s12 =	smul.u32 $0x280, s3;
	s19 =	sshll.u32 s3, $0x5  }
0x7: {  	s9 =	smul.u32 $0x50000, s3;
	s15 =	sadd.s32 $0x3D000, s6;
	s8 =	ssub.s32 $0x2, s11  }
0x8: {  	_ =	strace $0x8000004D;
	s16 =	sadd.s32 s19, s6;
	s20 =	sshrl.u32 s8, $0x1  }
0x9: {  	s21 =	sshrl.u32 s9, $0x2;
	s13 =	sadd.s32 $0x80, s12;
	s14 =	sadd.s32 $0x100, s12  }
0xa: {  	s18 =	sadd.s32 $0x180, s12;
	s19 =	sadd.s32 $0x200, s12;
	s17 =	ssub.s32 s8, s20  }
0xb: {  	s6 =	sadd.s32 s21, s2;
	s22 =	sshll.u32 s13, $0x7;
	s23 =	sshll.u32 s14, $0x7  }
0xc: {  	s24 =	sshll.u32 s18, $0x7;
	s20 =	smul.u32 $0x2800, s11;
	s10 =	sshll.u32 s19, $0x7  }
0xd: {  	s21 =	sshll.u32 s11, $0x4;
	s7 =	sadd.s32 s22, s2;
	s8 =	sadd.s32 s23, s2  }
0xe: {  	s9 =	sadd.s32 s24, s2;
	s10 =	sadd.s32 s10, s2;
	s31 =	sadd.s32 s21, s16  }
0xf: {  	s16 =	smax.u32 s17, $0x1;
	s21 =	simm.s32 $0x0;
	s12 =	sadd.s32 s12, s20  }
0x10: {  	s13 =	sadd.s32 s20, s13;
	s28 =	sadd.s32 s20, s14;
	s29 =	sadd.s32 s20, s18  }
0x11: {  	s30 =	sadd.s32 s20, s19;
	s17 =	sadd.s32 $0xC000, s31;
	s19 =	simm.s32 $0x100  }
0x12: {  	s20 =	simm.s32 $0x2;
	s25 =	sshll.u32 s12, $0x4;
	s26 =	sshll.u32 s13, $0x4  }
0x13: {  	s13 =	sshll.u32 s28, $0x4;
	s14 =	sshll.u32 s29, $0x4;
	s18 =	sshll.u32 s30, $0x4  }
0x14: {  	s11 =	sadd.s32 s15, s25;
	s12 =	sadd.s32 s15, s26;
	s13 =	sadd.s32 s15, s13  }
0x15: {  	s14 =	sadd.s32 s15, s14;
	s15 =	sadd.s32 s15, s18;
	s18 =	sadd.s32 $0x2200, s31  }
.LBB2_1:
0x16: {  	[tilespmem:s19], [sflag:$0x2] =	stream.linear.gather [hbm4b:s1+s4], $0x4000, $0x38;
	[tilespmem:$0x18100] =	vst v63  }
0x17: {  	_ =	swait.ge [sflag:s20], $0x4000  }
0x18: {  	[sflag:s20] =	ssyncset.done $0x0  }
0x19: {  	[sflag:s20] =	ssyncadd.s32 $0xFFFFC000  }
0x1a: {  	[spmem:s6] =	stream.linear.scatter [tilespmem:s19], [sflag:$0x2], $0x4000, $0x38;
	[tilespmem:$0x18100] =	vst v63  }
0x1b: {  	_ =	swait.ge [sflag:s20], $0x4000  }
0x1c: {  	[sflag:s20] =	ssyncset.done $0x0  }
0x1d: {  	[sflag:s20] =	ssyncadd.s32 $0xFFFFC000  }
0x1e: {  	[spmem:s7] =	stream.linear.scatter [tilespmem:s19], [sflag:$0x2], $0x4000, $0x38;
	[tilespmem:$0x18100] =	vst v63  }
0x1f: {  	_ =	swait.ge [sflag:s20], $0x4000  }
0x20: {  	[sflag:s20] =	ssyncset.done $0x0  }
0x21: {  	[sflag:s20] =	ssyncadd.s32 $0xFFFFC000  }
0x22: {  	[spmem:s8] =	stream.linear.scatter [tilespmem:s19], [sflag:$0x2], $0x4000, $0x38;
	[tilespmem:$0x18100] =	vst v63  }
0x23: {  	_ =	swait.ge [sflag:s20], $0x4000  }
0x24: {  	[sflag:s20] =	ssyncset.done $0x0  }
0x25: {  	[sflag:s20] =	ssyncadd.s32 $0xFFFFC000  }
0x26: {  	[spmem:s9] =	stream.linear.scatter [tilespmem:s19], [sflag:$0x2], $0x4000, $0x38;
	[tilespmem:$0x18100] =	vst v63  }
0x27: {  	_ =	swait.ge [sflag:s20], $0x4000  }
0x28: {  	[sflag:s20] =	ssyncset.done $0x0  }
0x29: {  	[sflag:s20] =	ssyncadd.s32 $0xFFFFC000  }
0x2a: {  	[spmem:s10] =	stream.linear.scatter [tilespmem:s19], [sflag:$0x2], $0x4000, $0x38;
	[tilespmem:$0x18100] =	vst v63  }
0x2b: {  	_ =	swait.ge [sflag:s20], $0x4000  }
0x2c: {  	p0 =	sgt.u32 s3, $0x4E1;
	[sflag:s20] =	ssyncset.done $0x0  }
0x2d: {  	s22 =	sadd.s32 @!p0 $0x0, s17;
	[sflag:s20] =	ssyncadd.s32 $0xFFFFC000  }
0x2e: {  	s23 =	simm.s32 @!p0 $0x0;
	s24 =	simm.s32 @!p0 $0x3;
	[bflag:$0x0] =	sbarrier.arrive $0xFFFF  }
0x2f: {  	[tilespmem:s23], [sflag:$0x3] =	stream.linear.gather @!p0 [hbm4b:s22+s23], $0x80, $0x38;
	[tilespmem:$0x18100] =	vst v63  }
0x30: {  	_ =	swait.ge @!p0 [sflag:s24], $0x80;
	p0 =	por p0, p0  }
0x31: {  	[sflag:s24] =	ssyncset.done @!p0 $0x0  }
0x32: {  	s22 =	sadd.s32 @!p0 $0x0, s18;
	s25 =	simm.s32 @!p0 $0x80;
	[sflag:s24] =	ssyncadd.s32 @!p0 $0xFFFFFF80  }
0x33: {  	[tilespmem:s25], [sflag:$0x3] =	stream.linear.gather @!p0 [hbm4b:s22+s23], $0x80, $0x38;
	[tilespmem:$0x18100] =	vst v63  }
0x34: {  	_ =	swait.ge @!p0 [sflag:s24], $0x80  }
0x35: {  	[sflag:s24] =	ssyncset.done @!p0 $0x0  }
0x36: {  	s22 =	simm.s32 @!p0 $0x100;
	[sflag:s24] =	ssyncadd.s32 @!p0 $0xFFFFFF80;
	s24 =	simm.s32 @!p0 $0x1  }
0x37: {  	[tilespmem:s22], [sflag:$0x1] =	stream.indirect.gather @!p0 [hbm4b:s5+s25], $0x80, s23, s25, $0xb8;
	[tilespmem:$0x18100] =	vst v63  }
0x38: {  	_ =	swait.ge @!p0 [sflag:s24], $0x4000  }
0x39: {  	[sflag:s24] =	ssyncset.done @!p0 $0x0  }
0x3a: {  	s23 =	sadd.s32 $0x10, s3;
	[sflag:s24] =	ssyncadd.s32 @!p0 $0xFFFFC000  }
0x3b: {  	[spmem:s2] =	stream.indirect.scatter.add.f32 @!p0 [tilespmem:s22], [sflag:$0x2], $0x80, s25, s25, $0xb8;
	[tilespmem:$0x18100] =	vst v63  }
0x3c: {  	p2 =	sgt.u32 s23, $0x4E1;
	s25 =	simm.s32 @!p0 $0x2  }
0x3d: {  	s24 =	simm.s32 $0x400;
	s22 =	simm.s32 $0x200;
	_ =	swait.ge @!p0 [sflag:s25], $0x4000  }
.LBB2_2:
0x3e: {  	s26 =	sadd.s32 @!p2 s22, s17  }
0x3f: {  	s28 =	simm.s32 @!p2 $0x0;
	[sflag:s25] =	ssyncset.done @!p0 $0x0;
	s29 =	smov.u32 s24  }
0x40: {  	s24 =	sadd.s32 $0x200, s24;
	s30 =	simm.s32 @!p2 $0x3;
	[sflag:s25] =	ssyncadd.s32 @!p0 $0xFFFFC000  }
0x41: {  	[tilespmem:s28], [sflag:$0x3] =	stream.linear.gather @!p2 [hbm4b:s26+s28], $0x80, $0x38;
	[tilespmem:$0x18100] =	vst v63  }
0x42: {  	p1 =	sne.s32 s24, $0x9E00;
	p0 =	por p2, p2;
	_ =	swait.ge @!p2 [sflag:s30], $0x80  }
0x43: {  	[sflag:s30] =	ssyncset.done @!p0 $0x0  }
0x44: {  	s22 =	sadd.s32 @!p0 s22, s18;
	s26 =	simm.s32 @!p0 $0x80;
	[sflag:s30] =	ssyncadd.s32 @!p0 $0xFFFFFF80  }
0x45: {  	[tilespmem:s26], [sflag:$0x3] =	stream.linear.gather @!p0 [hbm4b:s22+s28], $0x80, $0x38;
	[tilespmem:$0x18100] =	vst v63  }
0x46: {  	s22 =	smov.u32 s29;
	_ =	swait.ge @!p0 [sflag:s30], $0x80  }
0x47: {  	[sflag:s30] =	ssyncset.done @!p0 $0x0  }
0x48: {  	s25 =	simm.s32 @!p0 $0x1;
	s29 =	simm.s32 @!p0 $0x100;
	[sflag:s30] =	ssyncadd.s32 @!p0 $0xFFFFFF80  }
0x49: {  	[tilespmem:s29], [sflag:$0x1] =	stream.indirect.gather @!p0 [hbm4b:s5+s26], $0x80, s28, s26, $0xb8;
	[tilespmem:$0x18100] =	vst v63  }
.Ltmp0:
0x4a: {  	_ =	swait.ge @!p0 [sflag:s25], $0x4000;
	(pc) =	sbr.rel @p1 .LBB2_2-.Ltmp0, $4  }
0x4b: {  	[sflag:s25] =	ssyncset.done @!p0 $0x0  }
0x4c: {  	s23 =	sadd.s32 $0x10, s23;
	[sflag:s25] =	ssyncadd.s32 @!p0 $0xFFFFC000;
	s25 =	simm.s32 @!p0 $0x2  }
0x4d: {  	[spmem:s2] =	stream.indirect.scatter.add.f32 @!p0 [tilespmem:s29], [sflag:$0x2], $0x80, s26, s26, $0xb8;
	[tilespmem:$0x18100] =	vst v63  }
0x4e: {  	p2 =	sgt.u32 s23, $0x4E1;
	_ =	swait.ge @!p0 [sflag:s25], $0x4000  }
0x4f: {  	s23 =	sadd.s32 @!p2 s22, s17;
	[sflag:s25] =	ssyncset.done @!p0 $0x0  }
0x50: {  	s24 =	simm.s32 @!p2 $0x0;
	s26 =	simm.s32 @!p2 $0x3;
	[sflag:s25] =	ssyncadd.s32 @!p0 $0xFFFFC000  }
0x51: {  	[tilespmem:s24], [sflag:$0x3] =	stream.linear.gather @!p2 [hbm4b:s23+s24], $0x80, $0x38;
	[tilespmem:$0x18100] =	vst v63  }
0x52: {  	p0 =	por p2, p2;
	_ =	swait.ge @!p2 [sflag:s26], $0x80  }
0x53: {  	[sflag:s26] =	ssyncset.done @!p0 $0x0  }
0x54: {  	s22 =	sadd.s32 @!p0 s22, s18;
	s23 =	simm.s32 @!p0 $0x80;
	[sflag:s26] =	ssyncadd.s32 @!p0 $0xFFFFFF80  }
0x55: {  	[tilespmem:s23], [sflag:$0x3] =	stream.linear.gather @!p0 [hbm4b:s22+s24], $0x80, $0x38;
	[tilespmem:$0x18100] =	vst v63  }
0x56: {  	_ =	swait.ge @!p0 [sflag:s26], $0x80  }
0x57: {  	[sflag:s26] =	ssyncset.done @!p0 $0x0  }
0x58: {  	s25 =	simm.s32 @!p0 $0x1;
	s22 =	simm.s32 @!p0 $0x100;
	[sflag:s26] =	ssyncadd.s32 @!p0 $0xFFFFFF80  }
0x59: {  	[tilespmem:s22], [sflag:$0x1] =	stream.indirect.gather @!p0 [hbm4b:s5+s23], $0x80, s24, s23, $0xb8;
	[tilespmem:$0x18100] =	vst v63  }
0x5a: {  	_ =	swait.ge @!p0 [sflag:s25], $0x4000  }
0x5b: {  	[sflag:s25] =	ssyncset.done @!p0 $0x0  }
0x5c: {  	s24 =	simm.s32 @!p0 $0x2;
	[sflag:s25] =	ssyncadd.s32 @!p0 $0xFFFFC000  }
0x5d: {  	[spmem:s2] =	stream.indirect.scatter.add.f32 @!p0 [tilespmem:s22], [sflag:$0x2], $0x80, s23, s23, $0xb8;
	[tilespmem:$0x18100] =	vst v63  }
0x5e: {  	_ =	swait.ge @!p0 [sflag:s24], $0x4000  }
0x5f: {  	[sflag:s24] =	ssyncset.done @!p0 $0x0  }
0x60: {  	[sflag:s24] =	ssyncadd.s32 @!p0 $0xFFFFC000  }
0x61: {  	[bflag:$0x0] =	sbarrier.arrive $0xFFFF  }
0x62: {  	[tilespmem:s19], [sflag:$0x2] =	stream.linear.gather [spmem:s6], $0x4000, $0x38;
	[tilespmem:$0x18100] =	vst v63  }
0x63: {  	_ =	swait.ge [sflag:s20], $0x4000  }
0x64: {  	[sflag:s20] =	ssyncset.done $0x0  }
0x65: {  	[sflag:s20] =	ssyncadd.s32 $0xFFFFC000  }
0x66: {  	[hbm4b:s11+s4] =	stream.linear.scatter [tilespmem:s19], [sflag:$0x2], $0x4000, $0x38;
	[tilespmem:$0x18100] =	vst v63  }
0x67: {  	_ =	swait.ge [sflag:s20], $0x4000  }
0x68: {  	[sflag:s20] =	ssyncset.done $0x0  }
0x69: {  	[sflag:s20] =	ssyncadd.s32 $0xFFFFC000  }
0x6a: {  	[tilespmem:s19], [sflag:$0x2] =	stream.linear.gather [spmem:s7], $0x4000, $0x38;
	[tilespmem:$0x18100] =	vst v63  }
0x6b: {  	_ =	swait.ge [sflag:s20], $0x4000  }
0x6c: {  	[sflag:s20] =	ssyncset.done $0x0  }
0x6d: {  	[sflag:s20] =	ssyncadd.s32 $0xFFFFC000  }
0x6e: {  	[hbm4b:s12+s4] =	stream.linear.scatter [tilespmem:s19], [sflag:$0x2], $0x4000, $0x38;
	[tilespmem:$0x18100] =	vst v63  }
0x6f: {  	_ =	swait.ge [sflag:s20], $0x4000  }
0x70: {  	[sflag:s20] =	ssyncset.done $0x0  }
0x71: {  	[sflag:s20] =	ssyncadd.s32 $0xFFFFC000  }
0x72: {  	[tilespmem:s19], [sflag:$0x2] =	stream.linear.gather [spmem:s8], $0x4000, $0x38;
	[tilespmem:$0x18100] =	vst v63  }
0x73: {  	_ =	swait.ge [sflag:s20], $0x4000  }
0x74: {  	[sflag:s20] =	ssyncset.done $0x0  }
0x75: {  	[sflag:s20] =	ssyncadd.s32 $0xFFFFC000  }
0x76: {  	[hbm4b:s13+s4] =	stream.linear.scatter [tilespmem:s19], [sflag:$0x2], $0x4000, $0x38;
	[tilespmem:$0x18100] =	vst v63  }
0x77: {  	_ =	swait.ge [sflag:s20], $0x4000  }
0x78: {  	[sflag:s20] =	ssyncset.done $0x0  }
0x79: {  	[sflag:s20] =	ssyncadd.s32 $0xFFFFC000  }
0x7a: {  	[tilespmem:s19], [sflag:$0x2] =	stream.linear.gather [spmem:s9], $0x4000, $0x38;
	[tilespmem:$0x18100] =	vst v63  }
0x7b: {  	_ =	swait.ge [sflag:s20], $0x4000  }
0x7c: {  	[sflag:s20] =	ssyncset.done $0x0  }
0x7d: {  	[sflag:s20] =	ssyncadd.s32 $0xFFFFC000  }
0x7e: {  	[hbm4b:s14+s4] =	stream.linear.scatter [tilespmem:s19], [sflag:$0x2], $0x4000, $0x38;
	[tilespmem:$0x18100] =	vst v63  }
0x7f: {  	_ =	swait.ge [sflag:s20], $0x4000  }
0x80: {  	[sflag:s20] =	ssyncset.done $0x0  }
0x81: {  	[sflag:s20] =	ssyncadd.s32 $0xFFFFC000  }
0x82: {  	[tilespmem:s19], [sflag:$0x2] =	stream.linear.gather [spmem:s10], $0x4000, $0x38;
	[tilespmem:$0x18100] =	vst v63  }
0x83: {  	s21 =	sadd.s32 $0x1, s21;
	_ =	swait.ge [sflag:s20], $0x4000  }
0x84: {  	p0 =	sne.s32 s21, s16;
	[sflag:s20] =	ssyncset.done $0x0  }
.Ltmp1:
0x85: {  	[sflag:s20] =	ssyncadd.s32 $0xFFFFC000;
	(pc) =	sbr.rel @p0 .LBB2_1-.Ltmp1, $4  }
0x86: {  	[hbm4b:s15+s4] =	stream.linear.scatter [tilespmem:s19], [sflag:$0x2], $0x4000, $0x38;
	[tilespmem:$0x18100] =	vst v63  }
0x87: {  	_ =	swait.ge [sflag:s20], $0x4000  }
0x88: {  	[sflag:s20] =	ssyncset.done $0x0  }
0x89: {  	[sflag:s20] =	ssyncadd.s32 $0xFFFFC000  }
0x8a: {  	_ =	sfence.sel $0x180000  }
0x8b: {  	[bflag:$0x0] =	sbarrier.arrive $0xFFFF  }
0x8c: {  	p0 =	sne.s32 s3, $0x0;
	_ =	strace $0x9000004D  }
0x8d: {  	s0 =	sadd.s32 @!p0 $0x100000, s0;
	[bflag:$0x2] =	sbarrier.arrive $0xFFFF  }
0x8e: {  	[sflag:s0] =	ssyncadd.tile.s32 @!p0 $0x1;
	_ =	shalt  }
.Lfunc_end2:
_tile_overlayer_lowered:
.L_overlay_start_2:
0x8f: {  	(tag) =	ssettag $0x2  }
0x90: {  	s0 =	rddreg [dreg:$0x0];
	s2 =	stileid.u32  }
0x91: {  	s1 =	rddreg [dreg:$0x1];
	p0 =	sne.s32 s2, $0x0  }
0x92: {  	s3 =	rddreg [dreg:$0x2];
	[bflag:$0x3] =	sbarrier.arrive $0xFFFF;
	s2 =	simm.s32 @!p0 $0x1C02  }
0x93: {  	[timem:s3], [sflag:s2] =	dma.local @!p0 [hbm:s0], s1  }
0x94: {  	s0 =	simm.s32 @!p0 $0x2  }
0x95: {  	_ =	swait.ge @!p0 [sflag:s0], s1  }
0x96: {  	s1 =	ssub.s32 @!p0 $0x0, s1;
	[sflag:s0] =	ssyncset.done @!p0 $0x0  }
0x97: {  	[sflag:s0] =	ssyncadd.s32 @!p0 s1  }
0x98: {  	[bflag:$0x3] =	sbarrier.arrive $0xFFFF  }
0x99: {  	_ =	shalt  }

// kernel: kernel.8.cloned.1.call-start
scs
__scs_entry_jumppad:
0x0: {  	(pc) =	sbr.rel $0x88, $3  }
0x1: {  	(tag) =	ssettag $0x0;
	lr =	simm.s32 $0x1  }
0x2: {  	[smem:$0x3F9A] =	sst lr;
	_ =	strace $0xD0000000  }
0x3: {  	_ = 	snop  }
0x4: {  	_ = 	snop  }
0x5: {  	_ = 	snop  }
0x6: {  	_ = 	snop  }
0x7: {  	_ = 	snop  }
__scs_overlays_trampoline_lowered:
0x8: {  	[smem:$0x3FA9] =	sst s0  }
0x9: {  	[smem:$0x3FAA] =	sst s1  }
0xa: {  	[smem:$0x3FAB] =	sst s2  }
0xb: {  	[smem:$0x3FAC] =	sst s3  }
0xc: {  	[smem:$0x3FAD] =	sst s4  }
0xd: {  	[smem:$0x3FAE] =	sst s5  }
0xe: {  	[smem:$0x3FAF] =	sst s6  }
0xf: {  	[smem:$0x3FB0] =	sst s7  }
0x10: {  	[smem:$0x3FB1] =	sst s8  }
0x11: {  	[smem:$0x3FB2] =	sst s9;
	s0 =	simm.s32 @!p0 $0x0  }
0x12: {  	s1 =	sld [smem:$0x3F98];
	s0 =	simm.s32 @p0 $0x1  }
0x13: {  	[smem:$0x3FB3] =	sst s0;
	s0 =	simm.s32 @!p1 $0x0  }
0x14: {  	s2 =	sld [smem:$0x3F97];
	s0 =	simm.s32 @p1 $0x1  }
0x15: {  	[smem:$0x3FB4] =	sst s0;
	s0 =	simm.s32 @!p2 $0x0  }
0x16: {  	s3 =	sld [smem:$0x3FDB];
	s0 =	simm.s32 @p2 $0x1  }
0x17: {  	s4 =	simm.s32 $0x1BF5;
	[smem:$0x3FB6] =	sst s0  }
0x18: {  	s0 =	sld [smem:$0x3F99];
	_ =	swait.ge [sflag:s4], $0x0  }
0x19: {  	s7 =	sld [smem:$0x3F9A]  }
0x1a: {  	s8 =	sadd.s32 $0xFFFFE003, lr  }
0x1b: {  	s9 =	sadd.s32 $0xFFFFFEF7, lr;
	s5 =	simm.s32 $0xFFFFFFFF;
	p2 =	slt.u32 s8, $0xFFFFF086  }
0x1c: {  	p1 =	slt.u32 s9, $0xF7A;
	s5 =	simm.s32 @!p2 $0x0  }
0x1d: {  	s5 =	simm.s32 @p1 $0x1;
	p0 =	seq.s32 s7, s2  }
0x1e: {  	s7 =	smul.u32 @!p0 $0xF7A, s2;
	p2 =	seq.s32 @!p0 s5, $0x0  }
0x1f: {  	s9 =	smul.u32 $0xF7A, s1;
	s8 =	simm.s32 @!p0 $0x1BF5;
	p2 =	por !p2, p0  }
0x20: {  	[sflag:s8] =	ssyncset.s32 @!p0 $0xFFFFF086;
	s6 =	sadd.s32 @!p0 s3, s7;
	s7 =	simm.s32 @!p0 $0x108  }
0x21: {  	s3 =	sadd.s32 s3, s9;
	s6 =	sadd.s32 @!p0 $0x88, s6;
	s7 =	simm.s32 @p2 $0x1082  }
0x22: {  	[simem:s7], [sflag:s8] =	dma.local @!p0 [hbm:s6], $0xF7A  }
0x23: {  	s9 =	sor.u32 $0xD0000000, s2;
	s6 =	simm.s32 $0x108;
	_ =	swait.ge @!p0 [sflag:s8], $0x0  }
0x24: {  	s3 =	sadd.s32 $0x88, s3;
	s6 =	simm.s32 @!p1 $0x1082;
	[sflag:s4] =	ssyncset.s32 $0xFFFFF086  }
0x25: {  	[simem:s6], [sflag:s4] =	dma.local [hbm:s3], $0xF7A  }
0x26: {  	[smem:$0x3F9A] =	sst s1;
	(tag) =	ssettag s2;
	_ =	strace s9  }
0x27: {  	s1 =	sld [smem:$0x3FAA]  }
0x28: {  	s2 =	sld [smem:$0x3FAB]  }
0x29: {  	s4 =	sld [smem:$0x3FAD]  }
0x2a: {  	p0 =	seq.s32 s5, $0x0;
	s5 =	sld [smem:$0x3FAE]  }
0x2b: {  	s6 =	sld [smem:$0x3FAF]  }
0x2c: {  	s7 =	sld [smem:$0x3FB0]  }
0x2d: {  	s3 =	simm.s32 $0x108;
	s8 =	sld [smem:$0x3FB1]  }
0x2e: {  	s3 =	simm.s32 @!p0 $0x1082;
	s9 =	sld [smem:$0x3FB2]  }
0x2f: {  	lr =	sadd.s32 s0, s3;
	s0 =	sld [smem:$0x3FA9]  }
0x30: {  	s3 =	sld [smem:$0x3FAC]  }
0x31: {  	[smem:$0x3FB5] =	sst s10  }
0x32: {  	s10 =	sld [smem:$0x3FB3];
	_ =	sdelay $0x3  }
0x33: {  	p0 =	seq.s32 s10, $0x1;
	s10 =	sld [smem:$0x3FB5];
	_ =	sdelay $0x3  }
0x34: {  	[smem:$0x3FB5] =	sst s10  }
0x35: {  	s10 =	sld [smem:$0x3FB4];
	_ =	sdelay $0x3  }
0x36: {  	p1 =	seq.s32 s10, $0x1;
	s10 =	sld [smem:$0x3FB5];
	_ =	sdelay $0x3  }
0x37: {  	[smem:$0x3FB5] =	sst s10  }
0x38: {  	s10 =	sld [smem:$0x3FB6]  }
0x39: {  	_ = 	snop;
	(pc) =	sbr.ind lr, $3  }
0x3a: {  	_ = 	snop  }
0x3b: {  	_ = 	snop  }
0x3c: {  	p2 =	seq.s32 s10, $0x1;
	s10 =	sld [smem:$0x3FB5]  }
0x3d: {  	_ =	shalt  }
0x3e: {  	_ =	shalt  }
0x3f: {  	_ =	shalt  }
0x40: {  	_ =	shalt  }
0x41: {  	_ =	shalt  }
0x42: {  	_ =	shalt  }
0x43: {  	_ =	shalt  }
0x44: {  	_ =	shalt  }
0x45: {  	_ =	shalt  }
0x46: {  	_ =	shalt  }
0x47: {  	_ =	shalt  }
0x48: {  	_ =	shalt  }
0x49: {  	_ =	shalt  }
0x4a: {  	_ =	shalt  }
0x4b: {  	_ =	shalt  }
0x4c: {  	_ =	shalt  }
0x4d: {  	_ =	shalt  }
0x4e: {  	_ =	shalt  }
0x4f: {  	_ =	shalt  }
0x50: {  	_ =	shalt  }
0x51: {  	_ =	shalt  }
0x52: {  	_ =	shalt  }
0x53: {  	_ =	shalt  }
0x54: {  	_ =	shalt  }
0x55: {  	_ =	shalt  }
0x56: {  	_ =	shalt  }
0x57: {  	_ =	shalt  }
0x58: {  	_ =	shalt  }
0x59: {  	_ =	shalt  }
0x5a: {  	_ =	shalt  }
0x5b: {  	_ =	shalt  }
0x5c: {  	_ =	shalt  }
0x5d: {  	_ =	shalt  }
0x5e: {  	_ =	shalt  }
0x5f: {  	_ =	shalt  }
0x60: {  	_ =	shalt  }
0x61: {  	_ =	shalt  }
0x62: {  	_ =	shalt  }
0x63: {  	_ =	shalt  }
0x64: {  	_ =	shalt  }
0x65: {  	_ =	shalt  }
0x66: {  	_ =	shalt  }
0x67: {  	_ =	shalt  }
0x68: {  	_ =	shalt  }
0x69: {  	_ =	shalt  }
0x6a: {  	_ =	shalt  }
0x6b: {  	_ =	shalt  }
0x6c: {  	_ =	shalt  }
0x6d: {  	_ =	shalt  }
0x6e: {  	_ =	shalt  }
0x6f: {  	_ =	shalt  }
0x70: {  	_ =	shalt  }
0x71: {  	_ =	shalt  }
0x72: {  	_ =	shalt  }
0x73: {  	_ =	shalt  }
0x74: {  	_ =	shalt  }
0x75: {  	_ =	shalt  }
0x76: {  	_ =	shalt  }
0x77: {  	_ =	shalt  }
0x78: {  	_ =	shalt  }
0x79: {  	_ =	shalt  }
0x7a: {  	_ =	shalt  }
0x7b: {  	_ =	shalt  }
0x7c: {  	_ =	shalt  }
0x7d: {  	_ =	shalt  }
0x7e: {  	_ =	shalt  }
0x7f: {  	_ =	shalt  }
0x80: {  	_ =	shalt  }
0x81: {  	_ =	shalt  }
0x82: {  	_ =	shalt  }
0x83: {  	_ =	shalt  }
0x84: {  	_ =	shalt  }
0x85: {  	_ =	shalt  }
0x86: {  	_ =	shalt  }
0x87: {  	_ =	shalt  }
.Lfunc_end0:
.L_simem_size_0:
called_computation_lowered:
.L_overlay_start_0:
0x88: {  	s2 =	sld [smem:$0x3FD9]  }
0x89: {  	s3 =	sld [smem:$0x3FFE];
	_ =	sdelay $0x1  }
0x8a: {  	s1 =	srdreg.scid  }
0x8b: {  	s0 =	sand.u32 $0x1, s1  }
0x8c: {  	s17 =	sshll.u32 s0, $0xA;
	s2 =	sadd.s32 s3, s2  }
0x8d: {  	s2 =	sadd.s32 s2, s17  }
0x8e: {  	[smem:$0x3FC1] =	sst s2  }
0x8f: {  	_ = 	snop  }
0x90: {  	s18 =	sld [smem:$0x3FD0];
	(tm) =	ssettm $0x1  }
0x91: {  	s19 =	sld [smem:$0x3FFB];
	_ =	sdelay $0x3  }
0x92: {  	_ =	strace s19  }
0x93: {  	s2 =	sld [smem:$0x3FFC];
	_ =	sdelay $0x3  }
0x94: {  	_ =	strace s2  }
0x95: {  	s2 =	sld [smem:$0x3FFD];
	_ =	sdelay $0x3  }
0x96: {  	_ =	strace s2  }
0x97: {  	_ =	strace $0x8FFFFFFF  }
0x98: {  	s20 =	sld [smem:$0x3FDB];
	_ =	sdelay $0x1  }
0x99: {  	s4 =	simm.s32 $_scs_section_size  }
0x9a: {  	s5 =	simm.s32 $_size__tile_overlayer_lowered;
	s6 =	simm.s32 $_tile_overlayer_lowered  }
0x9b: {  	s7 =	simm.s32 $0x1BFF;
	s21 =	sshll.u32 s6, $0x1;
	s4 =	sadd.s32 s4, s20  }
0x9c: {  	s22 =	simm.s32 $0x0;
	s5 =	sshll.u32 s5, $0x1;
	s6 =	sadd.s32 s21, s4  }
0x9d: {  	[timem:s22], [sflag:s7] =	dma.local [hbm:s6], s5  }
0x9e: {  	_ =	swait.ge [sflag:s7], s5  }
0x9f: {  	s5 =	ssub.s32 $0x0, s5;
	[sflag:s7] =	ssyncset.done $0x0  }
0xa0: {  	[sflag:s7] =	ssyncadd.s32 s5;
	_ =	sdelay $0x1  }
0xa1: {  	s23 =	simm.s32 $0x1B8B  }
0xa2: {  	_ =	swait.ge [sflag:s23], $0x1  }
0xa3: {  	[sflag:s23] =	ssyncset.done $0x0  }
0xa4: {  	[sflag:s23] =	ssyncadd.s32 $0xFFFFFFFF  }
0xa5: {  	s5 =	sld [smem:$0x0]  }
0xa6: {  	s6 =	sand.u32 $0xFFFFFFFE, s1  }
0xa7: {  	p0 =	sne.s32 s1, s6  }
0xa8: {  	s6 =	sshll.u32 @p0 s6, $0xE  }
0xa9: {  	s6 =	sadd.s32 @p0 $0x11B8D, s6;
	s7 =	sshll.u32 @p0 s5, $0x11  }
0xaa: {  	s6 =	sor.u32 @p0 s7, s6  }
0xab: {  	[sflag:s6] =	ssyncadd.remote.s32 @p0 $0x1;
	_ =	sdelay $0x1  }
0xac: {  	s6 =	simm.s32 @p0 $0x1B8D  }
0xad: {  	_ =	swait.eq @p0 [sflag:s6], $0x1  }
0xae: {  	[sflag:s6] =	ssyncadd.s32 @p0 $0xFFFFFFFF  }
0xaf: {  	s7 =	sshll.u32 @!p0 s1, $0xE  }
0xb0: {  	s7 =	sor.u32 @!p0 $0x4000, s7;
	s6 =	simm.s32 @!p0 $0x1B8D  }
0xb1: {  	s5 =	sshll.u32 @!p0 s5, $0x11;
	s7 =	sadd.s32 @!p0 $0x11B8D, s7;
	_ =	swait.eq @!p0 [sflag:s6], $0x1  }
0xb2: {  	s5 =	sor.u32 @!p0 s5, s7;
	[sflag:s6] =	ssyncadd.s32 @!p0 $0xFFFFFFFF  }
0xb3: {  	s25 =	simm.s32 $0x1B8E;
	s24 =	sld [smem:$0x3FFE];
	[sflag:s5] =	ssyncadd.remote.s32 @!p0 $0x1  }
0xb4: {  	s26 =	simm.s32 $execute0_lowered;
	[smem:$0x3FD2] =	sst s25  }
0xb5: {  	s6 =	sshll.u32 s26, $0x1;
	_ =	strace $0x80000049;
	[dreg:$0x1] =	wrdreg $0xFFFFFFFF  }
0xb6: {  	s28 =	simm.s32 $_size_execute0_lowered;
	s4 =	sadd.s32 s4, s6;
	[dreg:$0x0] =	wrdreg $0x0  }
0xb7: {  	s6 =	sshll.u32 s28, $0x1;
	[dreg:$0x2] =	wrdreg s4  }
0xb8: {  	[dreg:$0x3] =	wrdreg s6  }
0xb9: {  	[dreg:$0x4] =	wrdreg $0xC0  }
0xba: {  	_ =	task [dreg:s22], $0x5FFFF  }
0xbb: {  	[dreg:$0x1] =	wrdreg $0xFFFFFFFF  }
0xbc: {  	[dreg:$0x0] =	wrdreg $0x60  }
0xbd: {  	[dreg:$0x2] =	wrdreg s24  }
0xbe: {  	[dreg:$0x3] =	wrdreg s18  }
0xbf: {  	[dreg:$0x4] =	wrdreg $0x80800  }
0xc0: {  	[dreg:$0x5] =	wrdreg $0x9  }
0xc1: {  	_ =	task.clear_ibuf [dreg:s22], $0x6FFFF;
	_ =	strace $0x90000049  }
0xc2: {  	s29 =	simm.s32 $0x9;
	_ =	strace $0x8000004B  }
0xc3: {  	_ =	swait.ge [sflag:s29], $0x1  }
0xc4: {  	[sflag:s29] =	ssyncadd.s32 $0xFFFFFFFF  }
0xc5: {  	_ =	strace $0x9000004B  }
0xc6: {  	_ =	sfence  }
0xc7: {  	s30 =	sld [smem:$0x0];
	_ =	sdelay $0x2  }
0xc8: {  	s31 =	sshll.u32 s1, $0xD;
	s1 =	sshrl.u32 s1, $0x2  }
0xc9: {  	s4 =	sand.u32 $0x4000, s31;
	s1 =	sadd.s32 s1, s30  }
0xca: {  	s0 =	sor.u32 s4, s0;
	s1 =	sshll.u32 s1, $0x11  }
0xcb: {  	s0 =	sor.u32 s1, s0  }
0xcc: {  	s0 =	sadd.s32 $0x8F2B, s0  }
0xcd: {  	[sflag:s0] =	ssyncadd.remote.s32 $0x1  }
0xce: {  	_ =	sfence.sel $0xFFFF  }
0xcf: {  	[dreg:$0x0] =	wrdreg $0xFFFFFFFF;
	(pc) =	sbr.abs _section_cstart, $3  }
0xd0: {  	[dreg:$0x1] =	wrdreg $0xFFFFFFFF  }
0xd1: {  	_ =	task.clear_ibuf [dreg:s22], $0x2FFFF;
	_ =	strace $0x9FFFFFFF  }
0xd2: {  	(tm) =	ssettm $0x7FFFFFFF  }
0xd3: {  	_ =	shalt  }
tec
execute0_lowered:
.L_overlay_start_1:
0x0: {  	(tag) =	ssettag $0x1  }
0x1: {  	s6 =	rddreg [dreg:$0x0]  }
0x2: {  	s1 =	rddreg [dreg:$0x1]  }
0x3: {  	s2 =	rddreg [dreg:$0x2]  }
0x4: {  	s0 =	rddreg [dreg:$0x3]  }
0x5: {  	s4 =	simm.s32 $0x0;
	s3 =	stileid.u32;
	s5 =	srdreg.scid  }
0x6: {  	[smem:$0x7FF] =	sst s4;
	s12 =	smul.u32 $0x280, s3  }
0x7: {  	s7 =	sshll.u32 s3, $0x5;
	s11 =	sand.u32 $0x1, s5;
	s8 =	smul.u32 $0x50000, s3  }
0x8: {  	s5 =	sadd.s32 $0x8D000, s6;
	s15 =	sadd.s32 $0x8D800, s6;
	s20 =	ssub.s32 $0x2, s11  }
0x9: {  	_ =	strace $0x8000004A;
	s16 =	sadd.s32 s7, s6;
	s21 =	sshrl.u32 s20, $0x1  }
0xa: {  	s22 =	sshrl.u32 s8, $0x2;
	s13 =	sadd.s32 $0x80, s12;
	s14 =	sadd.s32 $0x100, s12  }
0xb: {  	s18 =	sadd.s32 $0x180, s12;
	s19 =	sadd.s32 $0x200, s12;
	s17 =	ssub.s32 s20, s21  }
0xc: {  	s6 =	sadd.s32 s22, s2;
	s23 =	sshll.u32 s13, $0x7;
	s24 =	sshll.u32 s14, $0x7  }
0xd: {  	s9 =	sshll.u32 s18, $0x7;
	s20 =	smul.u32 $0x2800, s11;
	s10 =	sshll.u32 s19, $0x7  }
0xe: {  	s21 =	sshll.u32 s11, $0x4;
	s7 =	sadd.s32 s23, s2;
	s8 =	sadd.s32 s24, s2  }
0xf: {  	s9 =	sadd.s32 s9, s2;
	s10 =	sadd.s32 s10, s2;
	s31 =	sadd.s32 s21, s16  }
0x10: {  	s16 =	smax.u32 s17, $0x1;
	s21 =	simm.s32 $0x0;
	s12 =	sadd.s32 s12, s20  }
0x11: {  	s13 =	sadd.s32 s20, s13;
	s28 =	sadd.s32 s20, s14;
	s29 =	sadd.s32 s20, s18  }
0x12: {  	s30 =	sadd.s32 s20, s19;
	s17 =	sadd.s32 $0x2200, s31;
	s19 =	simm.s32 $0x1  }
0x13: {  	s20 =	simm.s32 $0x80;
	s25 =	sshll.u32 s12, $0x4;
	s26 =	sshll.u32 s13, $0x4  }
0x14: {  	s13 =	sshll.u32 s28, $0x4;
	s14 =	sshll.u32 s29, $0x4;
	s18 =	sshll.u32 s30, $0x4  }
0x15: {  	s11 =	sadd.s32 s15, s25;
	s12 =	sadd.s32 s15, s26;
	s13 =	sadd.s32 s15, s13  }
0x16: {  	s14 =	sadd.s32 s15, s14;
	s15 =	sadd.s32 s15, s18;
	s18 =	simm.s32 $0x4080  }
.LBB2_1:
0x17: {  	[tilespmem:s18], [sflag:$0x1] =	stream.linear.gather [hbm4b:s1+s4], $0x4000, $0x38;
	[tilespmem:$0x1C080] =	vst v63  }
0x18: {  	_ =	swait.ge [sflag:s19], $0x4000  }
0x19: {  	[sflag:s19] =	ssyncset.done $0x0  }
0x1a: {  	[sflag:s19] =	ssyncadd.s32 $0xFFFFC000  }
0x1b: {  	[spmem:s6] =	stream.linear.scatter [tilespmem:s18], [sflag:$0x1], $0x4000, $0x38;
	[tilespmem:$0x1C080] =	vst v63  }
0x1c: {  	_ =	swait.ge [sflag:s19], $0x4000  }
0x1d: {  	[sflag:s19] =	ssyncset.done $0x0  }
0x1e: {  	[sflag:s19] =	ssyncadd.s32 $0xFFFFC000  }
0x1f: {  	[spmem:s7] =	stream.linear.scatter [tilespmem:s18], [sflag:$0x1], $0x4000, $0x38;
	[tilespmem:$0x1C080] =	vst v63  }
0x20: {  	_ =	swait.ge [sflag:s19], $0x4000  }
0x21: {  	[sflag:s19] =	ssyncset.done $0x0  }
0x22: {  	[sflag:s19] =	ssyncadd.s32 $0xFFFFC000  }
0x23: {  	[spmem:s8] =	stream.linear.scatter [tilespmem:s18], [sflag:$0x1], $0x4000, $0x38;
	[tilespmem:$0x1C080] =	vst v63  }
0x24: {  	_ =	swait.ge [sflag:s19], $0x4000  }
0x25: {  	[sflag:s19] =	ssyncset.done $0x0  }
0x26: {  	[sflag:s19] =	ssyncadd.s32 $0xFFFFC000  }
0x27: {  	[spmem:s9] =	stream.linear.scatter [tilespmem:s18], [sflag:$0x1], $0x4000, $0x38;
	[tilespmem:$0x1C080] =	vst v63  }
0x28: {  	_ =	swait.ge [sflag:s19], $0x4000  }
0x29: {  	[sflag:s19] =	ssyncset.done $0x0  }
0x2a: {  	[sflag:s19] =	ssyncadd.s32 $0xFFFFC000  }
0x2b: {  	[spmem:s10] =	stream.linear.scatter [tilespmem:s18], [sflag:$0x1], $0x4000, $0x38;
	[tilespmem:$0x1C080] =	vst v63  }
0x2c: {  	_ =	swait.ge [sflag:s19], $0x4000  }
0x2d: {  	[sflag:s19] =	ssyncset.done $0x0  }
0x2e: {  	[sflag:s19] =	ssyncadd.s32 $0xFFFFC000  }
0x2f: {  	[tilespmem:s20], [sflag:$0x1] =	stream.linear.gather [hbm4b:s5+s4], $0x4000, $0x38;
	[tilespmem:$0x1C080] =	vst v63  }
0x30: {  	_ =	swait.ge [sflag:s19], $0x4000  }
0x31: {  	s22 =	sadd.s32 $0x0, s3;
	[sflag:s19] =	ssyncset.done $0x0  }
0x32: {  	p0 =	sgt.u32 s22, $0x4E1;
	[sflag:s19] =	ssyncadd.s32 $0xFFFFC000  }
0x33: {  	s23 =	simm.s32 @!p0 $0x0;
	s24 =	simm.s32 @!p0 $0x2;
	[bflag:$0x0] =	sbarrier.arrive $0xFFFF  }
0x34: {  	[tilespmem:s23], [sflag:$0x2] =	stream.linear.gather @!p0 [hbm4b:s17+s23], $0x80, $0x38;
	[tilespmem:$0x1C080] =	vst v63  }
0x35: {  	_ =	swait.ge @!p0 [sflag:s24], $0x80  }
0x36: {  	s31 =	sadd.s32 $0x10, s3;
	[sflag:s24] =	ssyncset.done @!p0 $0x0  }
0x37: {  	s25 =	simm.s32 @!p0 $0x80;
	[sflag:s24] =	ssyncadd.s32 @!p0 $0xFFFFFF80;
	s24 =	simm.s32 @!p0 $0x1  }
0x38: {  	[spmem:s2] =	stream.indirect.scatter.add.f32 @!p0 [tilespmem:s25], [sflag:$0x1], $0x80, s23, s25, $0xb8;
	[tilespmem:$0x1C080] =	vst v63  }
0x39: {  	s22 =	simm.s32 $0x20;
	p1 =	por p0, p0;
	_ =	swait.ge @!p0 [sflag:s24], $0x4000  }
0x3a: {  	s23 =	sadd.s32 $0x200, s17;
	p0 =	sgt.u32 s31, $0x4E1;
	[sflag:s24] =	ssyncset.done @!p1 $0x0  }
.LBB2_2:
0x3b: {  	s25 =	simm.s32 @!p0 $0x0;
	s26 =	simm.s32 @!p0 $0x2  }
0x3c: {  	[sflag:s24] =	ssyncadd.s32 @!p1 $0xFFFFC000;
	s28 =	smov.u32 s22;
	s22 =	sadd.s32 $0x10, s22  }
0x3d: {  	[tilespmem:s25], [sflag:$0x2] =	stream.linear.gather @!p0 [hbm4b:s23+s25], $0x80, $0x38;
	[tilespmem:$0x1C080] =	vst v63  }
0x3e: {  	p2 =	sne.s32 s22, $0x4F0;
	_ =	swait.ge @!p0 [sflag:s26], $0x80  }
.Ltmp0:
0x3f: {  	[sflag:s26] =	ssyncset.done @!p0 $0x0;
	(pc) =	sbr.rel @p2 .LBB2_2-.Ltmp0, $4  }
0x40: {  	s24 =	simm.s32 @!p0 $0x1;
	[sflag:s26] =	ssyncadd.s32 @!p0 $0xFFFFFF80;
	s26 =	simm.s32 @!p0 $0x80  }
0x41: {  	[spmem:s2] =	stream.indirect.scatter.add.f32 @!p0 [tilespmem:s26], [sflag:$0x1], $0x80, s25, s26, $0xb8;
	[tilespmem:$0x1C080] =	vst v63  }
0x42: {  	p1 =	por p0, p0;
	s25 =	sadd.s32 s28, s3;
	_ =	swait.ge @!p0 [sflag:s24], $0x4000  }
0x43: {  	s23 =	sadd.s32 $0x200, s23;
	p0 =	sgt.u32 s25, $0x4E1;
	[sflag:s24] =	ssyncset.done @!p1 $0x0  }
0x44: {  	s22 =	simm.s32 @!p0 $0x0;
	s25 =	simm.s32 @!p0 $0x2;
	[sflag:s24] =	ssyncadd.s32 @!p1 $0xFFFFC000  }
0x45: {  	[tilespmem:s22], [sflag:$0x2] =	stream.linear.gather @!p0 [hbm4b:s23+s22], $0x80, $0x38;
	[tilespmem:$0x1C080] =	vst v63  }
0x46: {  	_ =	swait.ge @!p0 [sflag:s25], $0x80  }
0x47: {  	[sflag:s25] =	ssyncset.done @!p0 $0x0  }
0x48: {  	s24 =	simm.s32 @!p0 $0x1;
	s23 =	simm.s32 @!p0 $0x80;
	[sflag:s25] =	ssyncadd.s32 @!p0 $0xFFFFFF80  }
0x49: {  	[spmem:s2] =	stream.indirect.scatter.add.f32 @!p0 [tilespmem:s23], [sflag:$0x1], $0x80, s22, s23, $0xb8;
	[tilespmem:$0x1C080] =	vst v63  }
0x4a: {  	_ =	swait.ge @!p0 [sflag:s24], $0x4000;
	p0 =	por p0, p0  }
0x4b: {  	[sflag:s24] =	ssyncset.done @!p0 $0x0  }
0x4c: {  	[sflag:s24] =	ssyncadd.s32 @!p0 $0xFFFFC000  }
0x4d: {  	[bflag:$0x0] =	sbarrier.arrive $0xFFFF  }
0x4e: {  	[tilespmem:s18], [sflag:$0x1] =	stream.linear.gather [spmem:s6], $0x4000, $0x38;
	[tilespmem:$0x1C080] =	vst v63  }
0x4f: {  	_ =	swait.ge [sflag:s19], $0x4000  }
0x50: {  	[sflag:s19] =	ssyncset.done $0x0  }
0x51: {  	[sflag:s19] =	ssyncadd.s32 $0xFFFFC000  }
0x52: {  	[hbm4b:s11+s4] =	stream.linear.scatter [tilespmem:s18], [sflag:$0x1], $0x4000, $0x38;
	[tilespmem:$0x1C080] =	vst v63  }
0x53: {  	_ =	swait.ge [sflag:s19], $0x4000  }
0x54: {  	[sflag:s19] =	ssyncset.done $0x0  }
0x55: {  	[sflag:s19] =	ssyncadd.s32 $0xFFFFC000  }
0x56: {  	[tilespmem:s18], [sflag:$0x1] =	stream.linear.gather [spmem:s7], $0x4000, $0x38;
	[tilespmem:$0x1C080] =	vst v63  }
0x57: {  	_ =	swait.ge [sflag:s19], $0x4000  }
0x58: {  	[sflag:s19] =	ssyncset.done $0x0  }
0x59: {  	[sflag:s19] =	ssyncadd.s32 $0xFFFFC000  }
0x5a: {  	[hbm4b:s12+s4] =	stream.linear.scatter [tilespmem:s18], [sflag:$0x1], $0x4000, $0x38;
	[tilespmem:$0x1C080] =	vst v63  }
0x5b: {  	_ =	swait.ge [sflag:s19], $0x4000  }
0x5c: {  	[sflag:s19] =	ssyncset.done $0x0  }
0x5d: {  	[sflag:s19] =	ssyncadd.s32 $0xFFFFC000  }
0x5e: {  	[tilespmem:s18], [sflag:$0x1] =	stream.linear.gather [spmem:s8], $0x4000, $0x38;
	[tilespmem:$0x1C080] =	vst v63  }
0x5f: {  	_ =	swait.ge [sflag:s19], $0x4000  }
0x60: {  	[sflag:s19] =	ssyncset.done $0x0  }
0x61: {  	[sflag:s19] =	ssyncadd.s32 $0xFFFFC000  }
0x62: {  	[hbm4b:s13+s4] =	stream.linear.scatter [tilespmem:s18], [sflag:$0x1], $0x4000, $0x38;
	[tilespmem:$0x1C080] =	vst v63  }
0x63: {  	_ =	swait.ge [sflag:s19], $0x4000  }
0x64: {  	[sflag:s19] =	ssyncset.done $0x0  }
0x65: {  	[sflag:s19] =	ssyncadd.s32 $0xFFFFC000  }
0x66: {  	[tilespmem:s18], [sflag:$0x1] =	stream.linear.gather [spmem:s9], $0x4000, $0x38;
	[tilespmem:$0x1C080] =	vst v63  }
0x67: {  	_ =	swait.ge [sflag:s19], $0x4000  }
0x68: {  	[sflag:s19] =	ssyncset.done $0x0  }
0x69: {  	[sflag:s19] =	ssyncadd.s32 $0xFFFFC000  }
0x6a: {  	[hbm4b:s14+s4] =	stream.linear.scatter [tilespmem:s18], [sflag:$0x1], $0x4000, $0x38;
	[tilespmem:$0x1C080] =	vst v63  }
0x6b: {  	_ =	swait.ge [sflag:s19], $0x4000  }
0x6c: {  	[sflag:s19] =	ssyncset.done $0x0  }
0x6d: {  	[sflag:s19] =	ssyncadd.s32 $0xFFFFC000  }
0x6e: {  	[tilespmem:s18], [sflag:$0x1] =	stream.linear.gather [spmem:s10], $0x4000, $0x38;
	[tilespmem:$0x1C080] =	vst v63  }
0x6f: {  	s21 =	sadd.s32 $0x1, s21;
	_ =	swait.ge [sflag:s19], $0x4000  }
0x70: {  	p0 =	sne.s32 s21, s16;
	[sflag:s19] =	ssyncset.done $0x0  }
.Ltmp1:
0x71: {  	[sflag:s19] =	ssyncadd.s32 $0xFFFFC000;
	(pc) =	sbr.rel @p0 .LBB2_1-.Ltmp1, $4  }
0x72: {  	[hbm4b:s15+s4] =	stream.linear.scatter [tilespmem:s18], [sflag:$0x1], $0x4000, $0x38;
	[tilespmem:$0x1C080] =	vst v63  }
0x73: {  	_ =	swait.ge [sflag:s19], $0x4000  }
0x74: {  	[sflag:s19] =	ssyncset.done $0x0  }
0x75: {  	[sflag:s19] =	ssyncadd.s32 $0xFFFFC000  }
0x76: {  	_ =	sfence.sel $0x180000  }
0x77: {  	[bflag:$0x0] =	sbarrier.arrive $0xFFFF  }
0x78: {  	p0 =	sne.s32 s3, $0x0;
	_ =	strace $0x9000004A  }
0x79: {  	s0 =	sadd.s32 @!p0 $0x100000, s0;
	[bflag:$0x2] =	sbarrier.arrive $0xFFFF  }
0x7a: {  	[sflag:s0] =	ssyncadd.tile.s32 @!p0 $0x1;
	_ =	shalt  }
.Lfunc_end2:
_tile_overlayer_lowered:
.L_overlay_start_2:
0x7b: {  	(tag) =	ssettag $0x2  }
0x7c: {  	s0 =	rddreg [dreg:$0x0];
	s2 =	stileid.u32  }
0x7d: {  	s1 =	rddreg [dreg:$0x1];
	p0 =	sne.s32 s2, $0x0  }
0x7e: {  	s3 =	rddreg [dreg:$0x2];
	[bflag:$0x3] =	sbarrier.arrive $0xFFFF;
	s2 =	simm.s32 @!p0 $0x1C01  }
0x7f: {  	[timem:s3], [sflag:s2] =	dma.local @!p0 [hbm:s0], s1  }
0x80: {  	s0 =	simm.s32 @!p0 $0x1  }
0x81: {  	_ =	swait.ge @!p0 [sflag:s0], s1  }
0x82: {  	s1 =	ssub.s32 @!p0 $0x0, s1;
	[sflag:s0] =	ssyncset.done @!p0 $0x0  }
0x83: {  	[sflag:s0] =	ssyncadd.s32 @!p0 s1  }
0x84: {  	[bflag:$0x3] =	sbarrier.arrive $0xFFFF  }
0x85: {  	_ =	shalt  }

</sc_bundles>
